<compile_context>
chip_gen: v7x
topology: tpu7x:2x2x1
jax: 0.10.2.dev20260603
libtpu: 0.0.44.dev20260713+nightly
codegen_flags: <defaults>
</compile_context>

<pallas_src>
import functools

import jax
import jax.numpy as jnp
from jax import lax
from jax.experimental import pallas as pl
from jax.experimental.pallas import tpu as pltpu
from jax.experimental.pallas import tpu_sc as plsc

D_EMBD = 32
B_TOTAL = 16384 * 50

_info = plsc.get_sparse_core_info()
_NC = _info.num_cores
_NS = _info.num_subcores
_NW = _NC * _NS
_B_PER_W = B_TOTAL // _NW
_CHUNK = 1600
_N_CHUNKS = _B_PER_W // _CHUNK

_mesh = plsc.VectorSubcoreMesh(core_axis_name="c", subcore_axis_name="s")


@functools.partial(
    pl.kernel,
    mesh=_mesh,
    out_type=jax.ShapeDtypeStruct((B_TOTAL, D_EMBD), jnp.float32),
    scratch_types=[
        pltpu.VMEM((_CHUNK,), jnp.int32),
        pltpu.VMEM((_CHUNK,), jnp.int32),
        pltpu.VMEM((_CHUNK, D_EMBD), jnp.float32),
        pltpu.VMEM((_CHUNK, D_EMBD), jnp.float32),
        pltpu.SemaphoreType.DMA,
        pltpu.SemaphoreType.DMA,
        pltpu.SemaphoreType.DMA,
        pltpu.SemaphoreType.DMA,
        pltpu.SemaphoreType.DMA,
        pltpu.SemaphoreType.DMA,
    ],
    compiler_params=pltpu.CompilerParams(use_tc_tiling_on_sc=False),
)
def _gather(idx_hbm, tab_hbm, out_hbm,
            idx_v0, idx_v1, rows_v0, rows_v1,
            si0, si1, sg0, sg1, so0, so1):
    wid = lax.axis_index("s") * _NC + lax.axis_index("c")
    base = wid * _B_PER_W
    idx_v = (idx_v0, idx_v1)
    rows_v = (rows_v0, rows_v1)
    sem_i = (si0, si1)
    sem_g = (sg0, sg1)
    sem_o = (so0, so1)

    def idx_off(j):
        return pl.ds(base + j * _CHUNK, _CHUNK)

    ih = [None, None]
    gh = [None, None]
    oh = [None, None]
    ih[0] = pltpu.async_copy(idx_hbm.at[idx_off(0)], idx_v[0], sem_i[0])
    ih[1] = pltpu.async_copy(idx_hbm.at[idx_off(1)], idx_v[1], sem_i[1])
    for j in range(_N_CHUNKS):
        b = j & 1
        if oh[b] is not None:
            oh[b].wait()
        ih[b].wait()
        gh[b] = pltpu.async_copy(tab_hbm.at[idx_v[b]], rows_v[b], sem_g[b])
        if j >= 1:
            gh[1 - b].wait()
            oh[1 - b] = pltpu.async_copy(
                rows_v[1 - b], out_hbm.at[idx_off(j - 1)], sem_o[1 - b])
            if j + 1 < _N_CHUNKS:
                ih[1 - b] = pltpu.async_copy(
                    idx_hbm.at[idx_off(j + 1)], idx_v[1 - b], sem_i[1 - b])
    bl = (_N_CHUNKS - 1) & 1
    gh[bl].wait()
    oh[bl] = pltpu.async_copy(
        rows_v[bl], out_hbm.at[idx_off(_N_CHUNKS - 1)], sem_o[bl])
    oh[1 - bl].wait()
    oh[bl].wait()


def kernel(x, embd):
    flat_idx = x.reshape(-1).astype(jnp.int32)
    out = _gather(flat_idx, embd)
    return out.reshape(x.shape[0], x.shape[1], D_EMBD)

# --- scband reference (transcript-rebuilt; emitter-appended) ---
"""Pipeline reference for scband-embedding-71133248356930 (READ-ONLY COPY).

The authoritative reference and input builder live on the scoring server;
editing this copy changes nothing except your own understanding.
"""

import jax, jax.numpy as jnp
import numpy as np

N_EMBD = 1000000
D_EMBD = 32
BATCH = 16384
HIST = 50

def setup_inputs(seed: int = 0) -> dict:
    key = jax.random.key(seed)
    k_idx, k_tab = jax.random.split(key)
    x = jax.random.randint(k_idx, (BATCH, HIST), 0, N_EMBD, dtype=jnp.int64 if jax.config.jax_enable_x64 else jnp.int32)
    embd = jax.random.normal(k_tab, (N_EMBD, D_EMBD), dtype=jnp.float32)
    return {"x": x, "embd": embd}

def reference(x, embd):
    # Faithful translation of Embedding.__call__: gather rows from the table
    return embd[x, :]

if __name__ == "__main__":
    import jax
    _d = setup_inputs()
    print(jax.jit(kernel)(*tuple(_d.values())))

</pallas_src>

<mosaic_0001>
#map = affine_map<(d0, d1) -> (0)>
#map1 = affine_map<(d0, d1) -> (0, 0)>
module attributes {stable_mosaic.version = 14 : i64} {
  func.func @_gather(%arg0: i32, %arg1: i32, %arg2: memref<819200xi32, #tpu.memory_space<hbm>>, %arg3: memref<1000000x32xf32, #tpu.memory_space<hbm>>, %arg4: memref<819200x32xf32, #tpu.memory_space<hbm>>, %arg5: memref<1600xi32, #tpu.memory_space<vmem>>, %arg6: memref<1600xi32, #tpu.memory_space<vmem>>, %arg7: memref<1600x32xf32, #tpu.memory_space<vmem>>, %arg8: memref<1600x32xf32, #tpu.memory_space<vmem>>, %arg9: memref<!tpu.dma_semaphore, #tpu.memory_space<semaphore_mem>>, %arg10: memref<!tpu.dma_semaphore, #tpu.memory_space<semaphore_mem>>, %arg11: memref<!tpu.dma_semaphore, #tpu.memory_space<semaphore_mem>>, %arg12: memref<!tpu.dma_semaphore, #tpu.memory_space<semaphore_mem>>, %arg13: memref<!tpu.dma_semaphore, #tpu.memory_space<semaphore_mem>>, %arg14: memref<!tpu.dma_semaphore, #tpu.memory_space<semaphore_mem>>) attributes {dimension_semantics = [#tpu.dimension_semantics<core_parallel>, #tpu.dimension_semantics<subcore_parallel>], iteration_bounds = array<i64: 2, 16>, scalar_prefetch = 0 : i64, scratch_operands = 10 : i64, tpu.core_type = #tpu.core_type<sc_vector_subcore>, window_params = [{transform_indices = #map}, {transform_indices = #map1}, {transform_indices = #map1}]} {
    %mul3A = arith.constant 2 : i32
    %mul3A_0 = arith.muli %arg1, %mul3A : i32
    %add3A = arith.addi %mul3A_0, %arg0 : i32
    %mul3A_1 = arith.constant 25600 : i32
    %mul3A_2 = arith.muli %add3A, %mul3A_1 : i32
    %add3A_3 = arith.constant 0 : i32
    %add3A_4 = arith.addi %mul3A_2, %add3A_3 : i32
    %dma_start3A = tpu.memref_slice %arg2[%add3A_4] : memref<819200xi32, #tpu.memory_space<hbm>> -> memref<1600xi32, #tpu.memory_space<hbm>>
    %dma_start3A_5 = tpu.memref_slice %arg2[%add3A_4] : memref<819200xi32, #tpu.memory_space<hbm>> -> memref<1600xi32, #tpu.memory_space<hbm>>
    tpu.enqueue_dma source(%dma_start3A_5 : memref<1600xi32, #tpu.memory_space<hbm>>) target(%arg5 : memref<1600xi32, #tpu.memory_space<vmem>>) target_semaphore(%arg9 : memref<!tpu.dma_semaphore, #tpu.memory_space<semaphore_mem>>)
    %add3A_6 = arith.constant 1600 : i32
    %add3A_7 = arith.addi %mul3A_2, %add3A_6 : i32
    %dma_start3A_8 = tpu.memref_slice %arg2[%add3A_7] : memref<819200xi32, #tpu.memory_space<hbm>> -> memref<1600xi32, #tpu.memory_space<hbm>>
    %dma_start3A_9 = tpu.memref_slice %arg2[%add3A_7] : memref<819200xi32, #tpu.memory_space<hbm>> -> memref<1600xi32, #tpu.memory_space<hbm>>
    tpu.enqueue_dma source(%dma_start3A_9 : memref<1600xi32, #tpu.memory_space<hbm>>) target(%arg6 : memref<1600xi32, #tpu.memory_space<vmem>>) target_semaphore(%arg10 : memref<!tpu.dma_semaphore, #tpu.memory_space<semaphore_mem>>)
    %dma_wait3A = tpu.memref_slice %arg2[%add3A_4] : memref<819200xi32, #tpu.memory_space<hbm>> -> memref<1600xi32, #tpu.memory_space<hbm>>
    %dma_wait3A_10 = tpu.memref_slice %arg2[%add3A_4] : memref<819200xi32, #tpu.memory_space<hbm>> -> memref<1600xi32, #tpu.memory_space<hbm>>
    tpu.wait_dma2 semaphore(%arg9 : memref<!tpu.dma_semaphore, #tpu.memory_space<semaphore_mem>>) src(%dma_wait3A_10 : memref<1600xi32, #tpu.memory_space<hbm>>) dst(%arg5 : memref<1600xi32, #tpu.memory_space<vmem>>)
    %dma_start3A_11 = arith.constant 0 : i32
    %dma_start3A_12 = arith.constant 0 : i32
    %dma_start3A_13 = tpu.memref_slice %arg3[%dma_start3A_11, %dma_start3A_12] : memref<1000000x32xf32, #tpu.memory_space<hbm>> -> memref<1000000x32xf32, #tpu.memory_space<hbm>>
    tpu.enqueue_indirect_dma source(%dma_start3A_13 : memref<1000000x32xf32, #tpu.memory_space<hbm>>) target(%arg7 : memref<1600x32xf32, #tpu.memory_space<vmem>>) offsets(%arg5 : memref<1600xi32, #tpu.memory_space<vmem>>) semaphore(%arg11 : memref<!tpu.dma_semaphore, #tpu.memory_space<semaphore_mem>>)
    %dma_wait3A_14 = tpu.memref_slice %arg2[%add3A_7] : memref<819200xi32, #tpu.memory_space<hbm>> -> memref<1600xi32, #tpu.memory_space<hbm>>
    %dma_wait3A_15 = tpu.memref_slice %arg2[%add3A_7] : memref<819200xi32, #tpu.memory_space<hbm>> -> memref<1600xi32, #tpu.memory_space<hbm>>
    tpu.wait_dma2 semaphore(%arg10 : memref<!tpu.dma_semaphore, #tpu.memory_space<semaphore_mem>>) src(%dma_wait3A_15 : memref<1600xi32, #tpu.memory_space<hbm>>) dst(%arg6 : memref<1600xi32, #tpu.memory_space<vmem>>)
    %dma_start3A_16 = arith.constant 0 : i32
    %dma_start3A_17 = arith.constant 0 : i32
    %dma_start3A_18 = tpu.memref_slice %arg3[%dma_start3A_16, %dma_start3A_17] : memref<1000000x32xf32, #tpu.memory_space<hbm>> -> memref<1000000x32xf32, #tpu.memory_space<hbm>>
    tpu.enqueue_indirect_dma source(%dma_start3A_18 : memref<1000000x32xf32, #tpu.memory_space<hbm>>) target(%arg8 : memref<1600x32xf32, #tpu.memory_space<vmem>>) offsets(%arg6 : memref<1600xi32, #tpu.memory_space<vmem>>) semaphore(%arg12 : memref<!tpu.dma_semaphore, #tpu.memory_space<semaphore_mem>>)
    %dma_wait3A_19 = arith.constant 0 : i32
    %dma_wait3A_20 = arith.constant 0 : i32
    %dma_wait3A_21 = tpu.memref_slice %arg3[%dma_wait3A_19, %dma_wait3A_20] : memref<1000000x32xf32, #tpu.memory_space<hbm>> -> memref<1000000x32xf32, #tpu.memory_space<hbm>>
    tpu.wait_indirect_dma semaphore(%arg11 : memref<!tpu.dma_semaphore, #tpu.memory_space<semaphore_mem>>) src(%dma_wait3A_21 : memref<1000000x32xf32, #tpu.memory_space<hbm>>) dst(%arg7 : memref<1600x32xf32, #tpu.memory_space<vmem>>)
    %add3A_22 = arith.constant 0 : i32
    %add3A_23 = arith.addi %mul3A_2, %add3A_22 : i32
    %dma_start3A_24 = arith.constant 0 : i32
    %dma_start3A_25 = tpu.memref_slice %arg4[%add3A_23, %dma_start3A_24] : memref<819200x32xf32, #tpu.memory_space<hbm>> -> memref<1600x32xf32, #tpu.memory_space<hbm>>
    %dma_start3A_26 = arith.constant 0 : i32
    %dma_start3A_27 = tpu.memref_slice %arg4[%add3A_23, %dma_start3A_26] : memref<819200x32xf32, #tpu.memory_space<hbm>> -> memref<1600x32xf32, #tpu.memory_space<hbm>>
    tpu.enqueue_dma source(%arg7 : memref<1600x32xf32, #tpu.memory_space<vmem>>) target(%dma_start3A_27 : memref<1600x32xf32, #tpu.memory_space<hbm>>) target_semaphore(%arg13 : memref<!tpu.dma_semaphore, #tpu.memory_space<semaphore_mem>>)
    %add3A_28 = arith.constant 3200 : i32
    %add3A_29 = arith.addi %mul3A_2, %add3A_28 : i32
    %dma_start3A_30 = tpu.memref_slice %arg2[%add3A_29] : memref<819200xi32, #tpu.memory_space<hbm>> -> memref<1600xi32, #tpu.memory_space<hbm>>
    %dma_start3A_31 = tpu.memref_slice %arg2[%add3A_29] : memref<819200xi32, #tpu.memory_space<hbm>> -> memref<1600xi32, #tpu.memory_space<hbm>>
    tpu.enqueue_dma source(%dma_start3A_31 : memref<1600xi32, #tpu.memory_space<hbm>>) target(%arg5 : memref<1600xi32, #tpu.memory_space<vmem>>) target_semaphore(%arg9 : memref<!tpu.dma_semaphore, #tpu.memory_space<semaphore_mem>>)
    %dma_wait3A_32 = arith.constant 0 : i32
    %dma_wait3A_33 = tpu.memref_slice %arg4[%add3A_23, %dma_wait3A_32] : memref<819200x32xf32, #tpu.memory_space<hbm>> -> memref<1600x32xf32, #tpu.memory_space<hbm>>
    %dma_wait3A_34 = arith.constant 0 : i32
    %dma_wait3A_35 = tpu.memref_slice %arg4[%add3A_23, %dma_wait3A_34] : memref<819200x32xf32, #tpu.memory_space<hbm>> -> memref<1600x32xf32, #tpu.memory_space<hbm>>
    tpu.wait_dma2 semaphore(%arg13 : memref<!tpu.dma_semaphore, #tpu.memory_space<semaphore_mem>>) src(%arg7 : memref<1600x32xf32, #tpu.memory_space<vmem>>) dst(%dma_wait3A_35 : memref<1600x32xf32, #tpu.memory_space<hbm>>)
    %dma_wait3A_36 = tpu.memref_slice %arg2[%add3A_29] : memref<819200xi32, #tpu.memory_space<hbm>> -> memref<1600xi32, #tpu.memory_space<hbm>>
    %dma_wait3A_37 = tpu.memref_slice %arg2[%add3A_29] : memref<819200xi32, #tpu.memory_space<hbm>> -> memref<1600xi32, #tpu.memory_space<hbm>>
    tpu.wait_dma2 semaphore(%arg9 : memref<!tpu.dma_semaphore, #tpu.memory_space<semaphore_mem>>) src(%dma_wait3A_37 : memref<1600xi32, #tpu.memory_space<hbm>>) dst(%arg5 : memref<1600xi32, #tpu.memory_space<vmem>>)
    %dma_start3A_38 = arith.constant 0 : i32
    %dma_start3A_39 = arith.constant 0 : i32
    %dma_start3A_40 = tpu.memref_slice %arg3[%dma_start3A_38, %dma_start3A_39] : memref<1000000x32xf32, #tpu.memory_space<hbm>> -> memref<1000000x32xf32, #tpu.memory_space<hbm>>
    tpu.enqueue_indirect_dma source(%dma_start3A_40 : memref<1000000x32xf32, #tpu.memory_space<hbm>>) target(%arg7 : memref<1600x32xf32, #tpu.memory_space<vmem>>) offsets(%arg5 : memref<1600xi32, #tpu.memory_space<vmem>>) semaphore(%arg11 : memref<!tpu.dma_semaphore, #tpu.memory_space<semaphore_mem>>)
    %dma_wait3A_41 = arith.constant 0 : i32
    %dma_wait3A_42 = arith.constant 0 : i32
    %dma_wait3A_43 = tpu.memref_slice %arg3[%dma_wait3A_41, %dma_wait3A_42] : memref<1000000x32xf32, #tpu.memory_space<hbm>> -> memref<1000000x32xf32, #tpu.memory_space<hbm>>
    tpu.wait_indirect_dma semaphore(%arg12 : memref<!tpu.dma_semaphore, #tpu.memory_space<semaphore_mem>>) src(%dma_wait3A_43 : memref<1000000x32xf32, #tpu.memory_space<hbm>>) dst(%arg8 : memref<1600x32xf32, #tpu.memory_space<vmem>>)
    %add3A_44 = arith.constant 1600 : i32
    %add3A_45 = arith.addi %mul3A_2, %add3A_44 : i32
    %dma_start3A_46 = arith.constant 0 : i32
    %dma_start3A_47 = tpu.memref_slice %arg4[%add3A_45, %dma_start3A_46] : memref<819200x32xf32, #tpu.memory_space<hbm>> -> memref<1600x32xf32, #tpu.memory_space<hbm>>
    %dma_start3A_48 = arith.constant 0 : i32
    %dma_start3A_49 = tpu.memref_slice %arg4[%add3A_45, %dma_start3A_48] : memref<819200x32xf32, #tpu.memory_space<hbm>> -> memref<1600x32xf32, #tpu.memory_space<hbm>>
    tpu.enqueue_dma source(%arg8 : memref<1600x32xf32, #tpu.memory_space<vmem>>) target(%dma_start3A_49 : memref<1600x32xf32, #tpu.memory_space<hbm>>) target_semaphore(%arg14 : memref<!tpu.dma_semaphore, #tpu.memory_space<semaphore_mem>>)
    %add3A_50 = arith.constant 4800 : i32
    %add3A_51 = arith.addi %mul3A_2, %add3A_50 : i32
    %dma_start3A_52 = tpu.memref_slice %arg2[%add3A_51] : memref<819200xi32, #tpu.memory_space<hbm>> -> memref<1600xi32, #tpu.memory_space<hbm>>
    %dma_start3A_53 = tpu.memref_slice %arg2[%add3A_51] : memref<819200xi32, #tpu.memory_space<hbm>> -> memref<1600xi32, #tpu.memory_space<hbm>>
    tpu.enqueue_dma source(%dma_start3A_53 : memref<1600xi32, #tpu.memory_space<hbm>>) target(%arg6 : memref<1600xi32, #tpu.memory_space<vmem>>) target_semaphore(%arg10 : memref<!tpu.dma_semaphore, #tpu.memory_space<semaphore_mem>>)
    %dma_wait3A_54 = arith.constant 0 : i32
    %dma_wait3A_55 = tpu.memref_slice %arg4[%add3A_45, %dma_wait3A_54] : memref<819200x32xf32, #tpu.memory_space<hbm>> -> memref<1600x32xf32, #tpu.memory_space<hbm>>
    %dma_wait3A_56 = arith.constant 0 : i32
    %dma_wait3A_57 = tpu.memref_slice %arg4[%add3A_45, %dma_wait3A_56] : memref<819200x32xf32, #tpu.memory_space<hbm>> -> memref<1600x32xf32, #tpu.memory_space<hbm>>
    tpu.wait_dma2 semaphore(%arg14 : memref<!tpu.dma_semaphore, #tpu.memory_space<semaphore_mem>>) src(%arg8 : memref<1600x32xf32, #tpu.memory_space<vmem>>) dst(%dma_wait3A_57 : memref<1600x32xf32, #tpu.memory_space<hbm>>)
    %dma_wait3A_58 = tpu.memref_slice %arg2[%add3A_51] : memref<819200xi32, #tpu.memory_space<hbm>> -> memref<1600xi32, #tpu.memory_space<hbm>>
    %dma_wait3A_59 = tpu.memref_slice %arg2[%add3A_51] : memref<819200xi32, #tpu.memory_space<hbm>> -> memref<1600xi32, #tpu.memory_space<hbm>>
    tpu.wait_dma2 semaphore(%arg10 : memref<!tpu.dma_semaphore, #tpu.memory_space<semaphore_mem>>) src(%dma_wait3A_59 : memref<1600xi32, #tpu.memory_space<hbm>>) dst(%arg6 : memref<1600xi32, #tpu.memory_space<vmem>>)
    %dma_start3A_60 = arith.constant 0 : i32
    %dma_start3A_61 = arith.constant 0 : i32
    %dma_start3A_62 = tpu.memref_slice %arg3[%dma_start3A_60, %dma_start3A_61] : memref<1000000x32xf32, #tpu.memory_space<hbm>> -> memref<1000000x32xf32, #tpu.memory_space<hbm>>
    tpu.enqueue_indirect_dma source(%dma_start3A_62 : memref<1000000x32xf32, #tpu.memory_space<hbm>>) target(%arg8 : memref<1600x32xf32, #tpu.memory_space<vmem>>) offsets(%arg6 : memref<1600xi32, #tpu.memory_space<vmem>>) semaphore(%arg12 : memref<!tpu.dma_semaphore, #tpu.memory_space<semaphore_mem>>)
    %dma_wait3A_63 = arith.constant 0 : i32
    %dma_wait3A_64 = arith.constant 0 : i32
    %dma_wait3A_65 = tpu.memref_slice %arg3[%dma_wait3A_63, %dma_wait3A_64] : memref<1000000x32xf32, #tpu.memory_space<hbm>> -> memref<1000000x32xf32, #tpu.memory_space<hbm>>
    tpu.wait_indirect_dma semaphore(%arg11 : memref<!tpu.dma_semaphore, #tpu.memory_space<semaphore_mem>>) src(%dma_wait3A_65 : memref<1000000x32xf32, #tpu.memory_space<hbm>>) dst(%arg7 : memref<1600x32xf32, #tpu.memory_space<vmem>>)
    %add3A_66 = arith.constant 3200 : i32
    %add3A_67 = arith.addi %mul3A_2, %add3A_66 : i32
    %dma_start3A_68 = arith.constant 0 : i32
    %dma_start3A_69 = tpu.memref_slice %arg4[%add3A_67, %dma_start3A_68] : memref<819200x32xf32, #tpu.memory_space<hbm>> -> memref<1600x32xf32, #tpu.memory_space<hbm>>
    %dma_start3A_70 = arith.constant 0 : i32
    %dma_start3A_71 = tpu.memref_slice %arg4[%add3A_67, %dma_start3A_70] : memref<819200x32xf32, #tpu.memory_space<hbm>> -> memref<1600x32xf32, #tpu.memory_space<hbm>>
    tpu.enqueue_dma source(%arg7 : memref<1600x32xf32, #tpu.memory_space<vmem>>) target(%dma_start3A_71 : memref<1600x32xf32, #tpu.memory_space<hbm>>) target_semaphore(%arg13 : memref<!tpu.dma_semaphore, #tpu.memory_space<semaphore_mem>>)
    %add3A_72 = arith.constant 6400 : i32
    %add3A_73 = arith.addi %mul3A_2, %add3A_72 : i32
    %dma_start3A_74 = tpu.memref_slice %arg2[%add3A_73] : memref<819200xi32, #tpu.memory_space<hbm>> -> memref<1600xi32, #tpu.memory_space<hbm>>
    %dma_start3A_75 = tpu.memref_slice %arg2[%add3A_73] : memref<819200xi32, #tpu.memory_space<hbm>> -> memref<1600xi32, #tpu.memory_space<hbm>>
    tpu.enqueue_dma source(%dma_start3A_75 : memref<1600xi32, #tpu.memory_space<hbm>>) target(%arg5 : memref<1600xi32, #tpu.memory_space<vmem>>) target_semaphore(%arg9 : memref<!tpu.dma_semaphore, #tpu.memory_space<semaphore_mem>>)
    %dma_wait3A_76 = arith.constant 0 : i32
    %dma_wait3A_77 = tpu.memref_slice %arg4[%add3A_67, %dma_wait3A_76] : memref<819200x32xf32, #tpu.memory_space<hbm>> -> memref<1600x32xf32, #tpu.memory_space<hbm>>
    %dma_wait3A_78 = arith.constant 0 : i32
    %dma_wait3A_79 = tpu.memref_slice %arg4[%add3A_67, %dma_wait3A_78] : memref<819200x32xf32, #tpu.memory_space<hbm>> -> memref<1600x32xf32, #tpu.memory_space<hbm>>
    tpu.wait_dma2 semaphore(%arg13 : memref<!tpu.dma_semaphore, #tpu.memory_space<semaphore_mem>>) src(%arg7 : memref<1600x32xf32, #tpu.memory_space<vmem>>) dst(%dma_wait3A_79 : memref<1600x32xf32, #tpu.memory_space<hbm>>)
    %dma_wait3A_80 = tpu.memref_slice %arg2[%add3A_73] : memref<819200xi32, #tpu.memory_space<hbm>> -> memref<1600xi32, #tpu.memory_space<hbm>>
    %dma_wait3A_81 = tpu.memref_slice %arg2[%add3A_73] : memref<819200xi32, #tpu.memory_space<hbm>> -> memref<1600xi32, #tpu.memory_space<hbm>>
    tpu.wait_dma2 semaphore(%arg9 : memref<!tpu.dma_semaphore, #tpu.memory_space<semaphore_mem>>) src(%dma_wait3A_81 : memref<1600xi32, #tpu.memory_space<hbm>>) dst(%arg5 : memref<1600xi32, #tpu.memory_space<vmem>>)
    %dma_start3A_82 = arith.constant 0 : i32
    %dma_start3A_83 = arith.constant 0 : i32
    %dma_start3A_84 = tpu.memref_slice %arg3[%dma_start3A_82, %dma_start3A_83] : memref<1000000x32xf32, #tpu.memory_space<hbm>> -> memref<1000000x32xf32, #tpu.memory_space<hbm>>
    tpu.enqueue_indirect_dma source(%dma_start3A_84 : memref<1000000x32xf32, #tpu.memory_space<hbm>>) target(%arg7 : memref<1600x32xf32, #tpu.memory_space<vmem>>) offsets(%arg5 : memref<1600xi32, #tpu.memory_space<vmem>>) semaphore(%arg11 : memref<!tpu.dma_semaphore, #tpu.memory_space<semaphore_mem>>)
    %dma_wait3A_85 = arith.constant 0 : i32
    %dma_wait3A_86 = arith.constant 0 : i32
    %dma_wait3A_87 = tpu.memref_slice %arg3[%dma_wait3A_85, %dma_wait3A_86] : memref<1000000x32xf32, #tpu.memory_space<hbm>> -> memref<1000000x32xf32, #tpu.memory_space<hbm>>
    tpu.wait_indirect_dma semaphore(%arg12 : memref<!tpu.dma_semaphore, #tpu.memory_space<semaphore_mem>>) src(%dma_wait3A_87 : memref<1000000x32xf32, #tpu.memory_space<hbm>>) dst(%arg8 : memref<1600x32xf32, #tpu.memory_space<vmem>>)
    %add3A_88 = arith.constant 4800 : i32
    %add3A_89 = arith.addi %mul3A_2, %add3A_88 : i32
    %dma_start3A_90 = arith.constant 0 : i32
    %dma_start3A_91 = tpu.memref_slice %arg4[%add3A_89, %dma_start3A_90] : memref<819200x32xf32, #tpu.memory_space<hbm>> -> memref<1600x32xf32, #tpu.memory_space<hbm>>
    %dma_start3A_92 = arith.constant 0 : i32
    %dma_start3A_93 = tpu.memref_slice %arg4[%add3A_89, %dma_start3A_92] : memref<819200x32xf32, #tpu.memory_space<hbm>> -> memref<1600x32xf32, #tpu.memory_space<hbm>>
    tpu.enqueue_dma source(%arg8 : memref<1600x32xf32, #tpu.memory_space<vmem>>) target(%dma_start3A_93 : memref<1600x32xf32, #tpu.memory_space<hbm>>) target_semaphore(%arg14 : memref<!tpu.dma_semaphore, #tpu.memory_space<semaphore_mem>>)
    %add3A_94 = arith.constant 8000 : i32
    %add3A_95 = arith.addi %mul3A_2, %add3A_94 : i32
    %dma_start3A_96 = tpu.memref_slice %arg2[%add3A_95] : memref<819200xi32, #tpu.memory_space<hbm>> -> memref<1600xi32, #tpu.memory_space<hbm>>
    %dma_start3A_97 = tpu.memref_slice %arg2[%add3A_95] : memref<819200xi32, #tpu.memory_space<hbm>> -> memref<1600xi32, #tpu.memory_space<hbm>>
    tpu.enqueue_dma source(%dma_start3A_97 : memref<1600xi32, #tpu.memory_space<hbm>>) target(%arg6 : memref<1600xi32, #tpu.memory_space<vmem>>) target_semaphore(%arg10 : memref<!tpu.dma_semaphore, #tpu.memory_space<semaphore_mem>>)
    %dma_wait3A_98 = arith.constant 0 : i32
    %dma_wait3A_99 = tpu.memref_slice %arg4[%add3A_89, %dma_wait3A_98] : memref<819200x32xf32, #tpu.memory_space<hbm>> -> memref<1600x32xf32, #tpu.memory_space<hbm>>
    %dma_wait3A_100 = arith.constant 0 : i32
    %dma_wait3A_101 = tpu.memref_slice %arg4[%add3A_89, %dma_wait3A_100] : memref<819200x32xf32, #tpu.memory_space<hbm>> -> memref<1600x32xf32, #tpu.memory_space<hbm>>
    tpu.wait_dma2 semaphore(%arg14 : memref<!tpu.dma_semaphore, #tpu.memory_space<semaphore_mem>>) src(%arg8 : memref<1600x32xf32, #tpu.memory_space<vmem>>) dst(%dma_wait3A_101 : memref<1600x32xf32, #tpu.memory_space<hbm>>)
    %dma_wait3A_102 = tpu.memref_slice %arg2[%add3A_95] : memref<819200xi32, #tpu.memory_space<hbm>> -> memref<1600xi32, #tpu.memory_space<hbm>>
    %dma_wait3A_103 = tpu.memref_slice %arg2[%add3A_95] : memref<819200xi32, #tpu.memory_space<hbm>> -> memref<1600xi32, #tpu.memory_space<hbm>>
    tpu.wait_dma2 semaphore(%arg10 : memref<!tpu.dma_semaphore, #tpu.memory_space<semaphore_mem>>) src(%dma_wait3A_103 : memref<1600xi32, #tpu.memory_space<hbm>>) dst(%arg6 : memref<1600xi32, #tpu.memory_space<vmem>>)
    %dma_start3A_104 = arith.constant 0 : i32
    %dma_start3A_105 = arith.constant 0 : i32
    %dma_start3A_106 = tpu.memref_slice %arg3[%dma_start3A_104, %dma_start3A_105] : memref<1000000x32xf32, #tpu.memory_space<hbm>> -> memref<1000000x32xf32, #tpu.memory_space<hbm>>
    tpu.enqueue_indirect_dma source(%dma_start3A_106 : memref<1000000x32xf32, #tpu.memory_space<hbm>>) target(%arg8 : memref<1600x32xf32, #tpu.memory_space<vmem>>) offsets(%arg6 : memref<1600xi32, #tpu.memory_space<vmem>>) semaphore(%arg12 : memref<!tpu.dma_semaphore, #tpu.memory_space<semaphore_mem>>)
    %dma_wait3A_107 = arith.constant 0 : i32
    %dma_wait3A_108 = arith.constant 0 : i32
    %dma_wait3A_109 = tpu.memref_slice %arg3[%dma_wait3A_107, %dma_wait3A_108] : memref<1000000x32xf32, #tpu.memory_space<hbm>> -> memref<1000000x32xf32, #tpu.memory_space<hbm>>
    tpu.wait_indirect_dma semaphore(%arg11 : memref<!tpu.dma_semaphore, #tpu.memory_space<semaphore_mem>>) src(%dma_wait3A_109 : memref<1000000x32xf32, #tpu.memory_space<hbm>>) dst(%arg7 : memref<1600x32xf32, #tpu.memory_space<vmem>>)
    %add3A_110 = arith.constant 6400 : i32
    %add3A_111 = arith.addi %mul3A_2, %add3A_110 : i32
    %dma_start3A_112 = arith.constant 0 : i32
    %dma_start3A_113 = tpu.memref_slice %arg4[%add3A_111, %dma_start3A_112] : memref<819200x32xf32, #tpu.memory_space<hbm>> -> memref<1600x32xf32, #tpu.memory_space<hbm>>
    %dma_start3A_114 = arith.constant 0 : i32
    %dma_start3A_115 = tpu.memref_slice %arg4[%add3A_111, %dma_start3A_114] : memref<819200x32xf32, #tpu.memory_space<hbm>> -> memref<1600x32xf32, #tpu.memory_space<hbm>>
    tpu.enqueue_dma source(%arg7 : memref<1600x32xf32, #tpu.memory_space<vmem>>) target(%dma_start3A_115 : memref<1600x32xf32, #tpu.memory_space<hbm>>) target_semaphore(%arg13 : memref<!tpu.dma_semaphore, #tpu.memory_space<semaphore_mem>>)
    %add3A_116 = arith.constant 9600 : i32
    %add3A_117 = arith.addi %mul3A_2, %add3A_116 : i32
    %dma_start3A_118 = tpu.memref_slice %arg2[%add3A_117] : memref<819200xi32, #tpu.memory_space<hbm>> -> memref<1600xi32, #tpu.memory_space<hbm>>
    %dma_start3A_119 = tpu.memref_slice %arg2[%add3A_117] : memref<819200xi32, #tpu.memory_space<hbm>> -> memref<1600xi32, #tpu.memory_space<hbm>>
    tpu.enqueue_dma source(%dma_start3A_119 : memref<1600xi32, #tpu.memory_space<hbm>>) target(%arg5 : memref<1600xi32, #tpu.memory_space<vmem>>) target_semaphore(%arg9 : memref<!tpu.dma_semaphore, #tpu.memory_space<semaphore_mem>>)
    %dma_wait3A_120 = arith.constant 0 : i32
    %dma_wait3A_121 = tpu.memref_slice %arg4[%add3A_111, %dma_wait3A_120] : memref<819200x32xf32, #tpu.memory_space<hbm>> -> memref<1600x32xf32, #tpu.memory_space<hbm>>
    %dma_wait3A_122 = arith.constant 0 : i32
    %dma_wait3A_123 = tpu.memref_slice %arg4[%add3A_111, %dma_wait3A_122] : memref<819200x32xf32, #tpu.memory_space<hbm>> -> memref<1600x32xf32, #tpu.memory_space<hbm>>
    tpu.wait_dma2 semaphore(%arg13 : memref<!tpu.dma_semaphore, #tpu.memory_space<semaphore_mem>>) src(%arg7 : memref<1600x32xf32, #tpu.memory_space<vmem>>) dst(%dma_wait3A_123 : memref<1600x32xf32, #tpu.memory_space<hbm>>)
    %dma_wait3A_124 = tpu.memref_slice %arg2[%add3A_117] : memref<819200xi32, #tpu.memory_space<hbm>> -> memref<1600xi32, #tpu.memory_space<hbm>>
    %dma_wait3A_125 = tpu.memref_slice %arg2[%add3A_117] : memref<819200xi32, #tpu.memory_space<hbm>> -> memref<1600xi32, #tpu.memory_space<hbm>>
    tpu.wait_dma2 semaphore(%arg9 : memref<!tpu.dma_semaphore, #tpu.memory_space<semaphore_mem>>) src(%dma_wait3A_125 : memref<1600xi32, #tpu.memory_space<hbm>>) dst(%arg5 : memref<1600xi32, #tpu.memory_space<vmem>>)
    %dma_start3A_126 = arith.constant 0 : i32
    %dma_start3A_127 = arith.constant 0 : i32
    %dma_start3A_128 = tpu.memref_slice %arg3[%dma_start3A_126, %dma_start3A_127] : memref<1000000x32xf32, #tpu.memory_space<hbm>> -> memref<1000000x32xf32, #tpu.memory_space<hbm>>
    tpu.enqueue_indirect_dma source(%dma_start3A_128 : memref<1000000x32xf32, #tpu.memory_space<hbm>>) target(%arg7 : memref<1600x32xf32, #tpu.memory_space<vmem>>) offsets(%arg5 : memref<1600xi32, #tpu.memory_space<vmem>>) semaphore(%arg11 : memref<!tpu.dma_semaphore, #tpu.memory_space<semaphore_mem>>)
    %dma_wait3A_129 = arith.constant 0 : i32
    %dma_wait3A_130 = arith.constant 0 : i32
    %dma_wait3A_131 = tpu.memref_slice %arg3[%dma_wait3A_129, %dma_wait3A_130] : memref<1000000x32xf32, #tpu.memory_space<hbm>> -> memref<1000000x32xf32, #tpu.memory_space<hbm>>
    tpu.wait_indirect_dma semaphore(%arg12 : memref<!tpu.dma_semaphore, #tpu.memory_space<semaphore_mem>>) src(%dma_wait3A_131 : memref<1000000x32xf32, #tpu.memory_space<hbm>>) dst(%arg8 : memref<1600x32xf32, #tpu.memory_space<vmem>>)
    %add3A_132 = arith.constant 8000 : i32
    %add3A_133 = arith.addi %mul3A_2, %add3A_132 : i32
    %dma_start3A_134 = arith.constant 0 : i32
    %dma_start3A_135 = tpu.memref_slice %arg4[%add3A_133, %dma_start3A_134] : memref<819200x32xf32, #tpu.memory_space<hbm>> -> memref<1600x32xf32, #tpu.memory_space<hbm>>
    %dma_start3A_136 = arith.constant 0 : i32
    %dma_start3A_137 = tpu.memref_slice %arg4[%add3A_133, %dma_start3A_136] : memref<819200x32xf32, #tpu.memory_space<hbm>> -> memref<1600x32xf32, #tpu.memory_space<hbm>>
    tpu.enqueue_dma source(%arg8 : memref<1600x32xf32, #tpu.memory_space<vmem>>) target(%dma_start3A_137 : memref<1600x32xf32, #tpu.memory_space<hbm>>) target_semaphore(%arg14 : memref<!tpu.dma_semaphore, #tpu.memory_space<semaphore_mem>>)
    %add3A_138 = arith.constant 11200 : i32
    %add3A_139 = arith.addi %mul3A_2, %add3A_138 : i32
    %dma_start3A_140 = tpu.memref_slice %arg2[%add3A_139] : memref<819200xi32, #tpu.memory_space<hbm>> -> memref<1600xi32, #tpu.memory_space<hbm>>
    %dma_start3A_141 = tpu.memref_slice %arg2[%add3A_139] : memref<819200xi32, #tpu.memory_space<hbm>> -> memref<1600xi32, #tpu.memory_space<hbm>>
    tpu.enqueue_dma source(%dma_start3A_141 : memref<1600xi32, #tpu.memory_space<hbm>>) target(%arg6 : memref<1600xi32, #tpu.memory_space<vmem>>) target_semaphore(%arg10 : memref<!tpu.dma_semaphore, #tpu.memory_space<semaphore_mem>>)
    %dma_wait3A_142 = arith.constant 0 : i32
    %dma_wait3A_143 = tpu.memref_slice %arg4[%add3A_133, %dma_wait3A_142] : memref<819200x32xf32, #tpu.memory_space<hbm>> -> memref<1600x32xf32, #tpu.memory_space<hbm>>
    %dma_wait3A_144 = arith.constant 0 : i32
    %dma_wait3A_145 = tpu.memref_slice %arg4[%add3A_133, %dma_wait3A_144] : memref<819200x32xf32, #tpu.memory_space<hbm>> -> memref<1600x32xf32, #tpu.memory_space<hbm>>
    tpu.wait_dma2 semaphore(%arg14 : memref<!tpu.dma_semaphore, #tpu.memory_space<semaphore_mem>>) src(%arg8 : memref<1600x32xf32, #tpu.memory_space<vmem>>) dst(%dma_wait3A_145 : memref<1600x32xf32, #tpu.memory_space<hbm>>)
    %dma_wait3A_146 = tpu.memref_slice %arg2[%add3A_139] : memref<819200xi32, #tpu.memory_space<hbm>> -> memref<1600xi32, #tpu.memory_space<hbm>>
    %dma_wait3A_147 = tpu.memref_slice %arg2[%add3A_139] : memref<819200xi32, #tpu.memory_space<hbm>> -> memref<1600xi32, #tpu.memory_space<hbm>>
    tpu.wait_dma2 semaphore(%arg10 : memref<!tpu.dma_semaphore, #tpu.memory_space<semaphore_mem>>) src(%dma_wait3A_147 : memref<1600xi32, #tpu.memory_space<hbm>>) dst(%arg6 : memref<1600xi32, #tpu.memory_space<vmem>>)
    %dma_start3A_148 = arith.constant 0 : i32
    %dma_start3A_149 = arith.constant 0 : i32
    %dma_start3A_150 = tpu.memref_slice %arg3[%dma_start3A_148, %dma_start3A_149] : memref<1000000x32xf32, #tpu.memory_space<hbm>> -> memref<1000000x32xf32, #tpu.memory_space<hbm>>
    tpu.enqueue_indirect_dma source(%dma_start3A_150 : memref<1000000x32xf32, #tpu.memory_space<hbm>>) target(%arg8 : memref<1600x32xf32, #tpu.memory_space<vmem>>) offsets(%arg6 : memref<1600xi32, #tpu.memory_space<vmem>>) semaphore(%arg12 : memref<!tpu.dma_semaphore, #tpu.memory_space<semaphore_mem>>)
    %dma_wait3A_151 = arith.constant 0 : i32
    %dma_wait3A_152 = arith.constant 0 : i32
    %dma_wait3A_153 = tpu.memref_slice %arg3[%dma_wait3A_151, %dma_wait3A_152] : memref<1000000x32xf32, #tpu.memory_space<hbm>> -> memref<1000000x32xf32, #tpu.memory_space<hbm>>
    tpu.wait_indirect_dma semaphore(%arg11 : memref<!tpu.dma_semaphore, #tpu.memory_space<semaphore_mem>>) src(%dma_wait3A_153 : memref<1000000x32xf32, #tpu.memory_space<hbm>>) dst(%arg7 : memref<1600x32xf32, #tpu.memory_space<vmem>>)
    %add3A_154 = arith.constant 9600 : i32
    %add3A_155 = arith.addi %mul3A_2, %add3A_154 : i32
    %dma_start3A_156 = arith.constant 0 : i32
    %dma_start3A_157 = tpu.memref_slice %arg4[%add3A_155, %dma_start3A_156] : memref<819200x32xf32, #tpu.memory_space<hbm>> -> memref<1600x32xf32, #tpu.memory_space<hbm>>
    %dma_start3A_158 = arith.constant 0 : i32
    %dma_start3A_159 = tpu.memref_slice %arg4[%add3A_155, %dma_start3A_158] : memref<819200x32xf32, #tpu.memory_space<hbm>> -> memref<1600x32xf32, #tpu.memory_space<hbm>>
    tpu.enqueue_dma source(%arg7 : memref<1600x32xf32, #tpu.memory_space<vmem>>) target(%dma_start3A_159 : memref<1600x32xf32, #tpu.memory_space<hbm>>) target_semaphore(%arg13 : memref<!tpu.dma_semaphore, #tpu.memory_space<semaphore_mem>>)
    %add3A_160 = arith.constant 12800 : i32
    %add3A_161 = arith.addi %mul3A_2, %add3A_160 : i32
    %dma_start3A_162 = tpu.memref_slice %arg2[%add3A_161] : memref<819200xi32, #tpu.memory_space<hbm>> -> memref<1600xi32, #tpu.memory_space<hbm>>
    %dma_start3A_163 = tpu.memref_slice %arg2[%add3A_161] : memref<819200xi32, #tpu.memory_space<hbm>> -> memref<1600xi32, #tpu.memory_space<hbm>>
    tpu.enqueue_dma source(%dma_start3A_163 : memref<1600xi32, #tpu.memory_space<hbm>>) target(%arg5 : memref<1600xi32, #tpu.memory_space<vmem>>) target_semaphore(%arg9 : memref<!tpu.dma_semaphore, #tpu.memory_space<semaphore_mem>>)
    %dma_wait3A_164 = arith.constant 0 : i32
    %dma_wait3A_165 = tpu.memref_slice %arg4[%add3A_155, %dma_wait3A_164] : memref<819200x32xf32, #tpu.memory_space<hbm>> -> memref<1600x32xf32, #tpu.memory_space<hbm>>
    %dma_wait3A_166 = arith.constant 0 : i32
    %dma_wait3A_167 = tpu.memref_slice %arg4[%add3A_155, %dma_wait3A_166] : memref<819200x32xf32, #tpu.memory_space<hbm>> -> memref<1600x32xf32, #tpu.memory_space<hbm>>
    tpu.wait_dma2 semaphore(%arg13 : memref<!tpu.dma_semaphore, #tpu.memory_space<semaphore_mem>>) src(%arg7 : memref<1600x32xf32, #tpu.memory_space<vmem>>) dst(%dma_wait3A_167 : memref<1600x32xf32, #tpu.memory_space<hbm>>)
    %dma_wait3A_168 = tpu.memref_slice %arg2[%add3A_161] : memref<819200xi32, #tpu.memory_space<hbm>> -> memref<1600xi32, #tpu.memory_space<hbm>>
    %dma_wait3A_169 = tpu.memref_slice %arg2[%add3A_161] : memref<819200xi32, #tpu.memory_space<hbm>> -> memref<1600xi32, #tpu.memory_space<hbm>>
    tpu.wait_dma2 semaphore(%arg9 : memref<!tpu.dma_semaphore, #tpu.memory_space<semaphore_mem>>) src(%dma_wait3A_169 : memref<1600xi32, #tpu.memory_space<hbm>>) dst(%arg5 : memref<1600xi32, #tpu.memory_space<vmem>>)
    %dma_start3A_170 = arith.constant 0 : i32
    %dma_start3A_171 = arith.constant 0 : i32
    %dma_start3A_172 = tpu.memref_slice %arg3[%dma_start3A_170, %dma_start3A_171] : memref<1000000x32xf32, #tpu.memory_space<hbm>> -> memref<1000000x32xf32, #tpu.memory_space<hbm>>
    tpu.enqueue_indirect_dma source(%dma_start3A_172 : memref<1000000x32xf32, #tpu.memory_space<hbm>>) target(%arg7 : memref<1600x32xf32, #tpu.memory_space<vmem>>) offsets(%arg5 : memref<1600xi32, #tpu.memory_space<vmem>>) semaphore(%arg11 : memref<!tpu.dma_semaphore, #tpu.memory_space<semaphore_mem>>)
    %dma_wait3A_173 = arith.constant 0 : i32
    %dma_wait3A_174 = arith.constant 0 : i32
    %dma_wait3A_175 = tpu.memref_slice %arg3[%dma_wait3A_173, %dma_wait3A_174] : memref<1000000x32xf32, #tpu.memory_space<hbm>> -> memref<1000000x32xf32, #tpu.memory_space<hbm>>
    tpu.wait_indirect_dma semaphore(%arg12 : memref<!tpu.dma_semaphore, #tpu.memory_space<semaphore_mem>>) src(%dma_wait3A_175 : memref<1000000x32xf32, #tpu.memory_space<hbm>>) dst(%arg8 : memref<1600x32xf32, #tpu.memory_space<vmem>>)
    %add3A_176 = arith.constant 11200 : i32
    %add3A_177 = arith.addi %mul3A_2, %add3A_176 : i32
    %dma_start3A_178 = arith.constant 0 : i32
    %dma_start3A_179 = tpu.memref_slice %arg4[%add3A_177, %dma_start3A_178] : memref<819200x32xf32, #tpu.memory_space<hbm>> -> memref<1600x32xf32, #tpu.memory_space<hbm>>
    %dma_start3A_180 = arith.constant 0 : i32
    %dma_start3A_181 = tpu.memref_slice %arg4[%add3A_177, %dma_start3A_180] : memref<819200x32xf32, #tpu.memory_space<hbm>> -> memref<1600x32xf32, #tpu.memory_space<hbm>>
    tpu.enqueue_dma source(%arg8 : memref<1600x32xf32, #tpu.memory_space<vmem>>) target(%dma_start3A_181 : memref<1600x32xf32, #tpu.memory_space<hbm>>) target_semaphore(%arg14 : memref<!tpu.dma_semaphore, #tpu.memory_space<semaphore_mem>>)
    %add3A_182 = arith.constant 14400 : i32
    %add3A_183 = arith.addi %mul3A_2, %add3A_182 : i32
    %dma_start3A_184 = tpu.memref_slice %arg2[%add3A_183] : memref<819200xi32, #tpu.memory_space<hbm>> -> memref<1600xi32, #tpu.memory_space<hbm>>
    %dma_start3A_185 = tpu.memref_slice %arg2[%add3A_183] : memref<819200xi32, #tpu.memory_space<hbm>> -> memref<1600xi32, #tpu.memory_space<hbm>>
    tpu.enqueue_dma source(%dma_start3A_185 : memref<1600xi32, #tpu.memory_space<hbm>>) target(%arg6 : memref<1600xi32, #tpu.memory_space<vmem>>) target_semaphore(%arg10 : memref<!tpu.dma_semaphore, #tpu.memory_space<semaphore_mem>>)
    %dma_wait3A_186 = arith.constant 0 : i32
    %dma_wait3A_187 = tpu.memref_slice %arg4[%add3A_177, %dma_wait3A_186] : memref<819200x32xf32, #tpu.memory_space<hbm>> -> memref<1600x32xf32, #tpu.memory_space<hbm>>
    %dma_wait3A_188 = arith.constant 0 : i32
    %dma_wait3A_189 = tpu.memref_slice %arg4[%add3A_177, %dma_wait3A_188] : memref<819200x32xf32, #tpu.memory_space<hbm>> -> memref<1600x32xf32, #tpu.memory_space<hbm>>
    tpu.wait_dma2 semaphore(%arg14 : memref<!tpu.dma_semaphore, #tpu.memory_space<semaphore_mem>>) src(%arg8 : memref<1600x32xf32, #tpu.memory_space<vmem>>) dst(%dma_wait3A_189 : memref<1600x32xf32, #tpu.memory_space<hbm>>)
    %dma_wait3A_190 = tpu.memref_slice %arg2[%add3A_183] : memref<819200xi32, #tpu.memory_space<hbm>> -> memref<1600xi32, #tpu.memory_space<hbm>>
    %dma_wait3A_191 = tpu.memref_slice %arg2[%add3A_183] : memref<819200xi32, #tpu.memory_space<hbm>> -> memref<1600xi32, #tpu.memory_space<hbm>>
    tpu.wait_dma2 semaphore(%arg10 : memref<!tpu.dma_semaphore, #tpu.memory_space<semaphore_mem>>) src(%dma_wait3A_191 : memref<1600xi32, #tpu.memory_space<hbm>>) dst(%arg6 : memref<1600xi32, #tpu.memory_space<vmem>>)
    %dma_start3A_192 = arith.constant 0 : i32
    %dma_start3A_193 = arith.constant 0 : i32
    %dma_start3A_194 = tpu.memref_slice %arg3[%dma_start3A_192, %dma_start3A_193] : memref<1000000x32xf32, #tpu.memory_space<hbm>> -> memref<1000000x32xf32, #tpu.memory_space<hbm>>
    tpu.enqueue_indirect_dma source(%dma_start3A_194 : memref<1000000x32xf32, #tpu.memory_space<hbm>>) target(%arg8 : memref<1600x32xf32, #tpu.memory_space<vmem>>) offsets(%arg6 : memref<1600xi32, #tpu.memory_space<vmem>>) semaphore(%arg12 : memref<!tpu.dma_semaphore, #tpu.memory_space<semaphore_mem>>)
    %dma_wait3A_195 = arith.constant 0 : i32
    %dma_wait3A_196 = arith.constant 0 : i32
    %dma_wait3A_197 = tpu.memref_slice %arg3[%dma_wait3A_195, %dma_wait3A_196] : memref<1000000x32xf32, #tpu.memory_space<hbm>> -> memref<1000000x32xf32, #tpu.memory_space<hbm>>
    tpu.wait_indirect_dma semaphore(%arg11 : memref<!tpu.dma_semaphore, #tpu.memory_space<semaphore_mem>>) src(%dma_wait3A_197 : memref<1000000x32xf32, #tpu.memory_space<hbm>>) dst(%arg7 : memref<1600x32xf32, #tpu.memory_space<vmem>>)
    %add3A_198 = arith.constant 12800 : i32
    %add3A_199 = arith.addi %mul3A_2, %add3A_198 : i32
    %dma_start3A_200 = arith.constant 0 : i32
    %dma_start3A_201 = tpu.memref_slice %arg4[%add3A_199, %dma_start3A_200] : memref<819200x32xf32, #tpu.memory_space<hbm>> -> memref<1600x32xf32, #tpu.memory_space<hbm>>
    %dma_start3A_202 = arith.constant 0 : i32
    %dma_start3A_203 = tpu.memref_slice %arg4[%add3A_199, %dma_start3A_202] : memref<819200x32xf32, #tpu.memory_space<hbm>> -> memref<1600x32xf32, #tpu.memory_space<hbm>>
    tpu.enqueue_dma source(%arg7 : memref<1600x32xf32, #tpu.memory_space<vmem>>) target(%dma_start3A_203 : memref<1600x32xf32, #tpu.memory_space<hbm>>) target_semaphore(%arg13 : memref<!tpu.dma_semaphore, #tpu.memory_space<semaphore_mem>>)
    %add3A_204 = arith.constant 16000 : i32
    %add3A_205 = arith.addi %mul3A_2, %add3A_204 : i32
    %dma_start3A_206 = tpu.memref_slice %arg2[%add3A_205] : memref<819200xi32, #tpu.memory_space<hbm>> -> memref<1600xi32, #tpu.memory_space<hbm>>
    %dma_start3A_207 = tpu.memref_slice %arg2[%add3A_205] : memref<819200xi32, #tpu.memory_space<hbm>> -> memref<1600xi32, #tpu.memory_space<hbm>>
    tpu.enqueue_dma source(%dma_start3A_207 : memref<1600xi32, #tpu.memory_space<hbm>>) target(%arg5 : memref<1600xi32, #tpu.memory_space<vmem>>) target_semaphore(%arg9 : memref<!tpu.dma_semaphore, #tpu.memory_space<semaphore_mem>>)
    %dma_wait3A_208 = arith.constant 0 : i32
    %dma_wait3A_209 = tpu.memref_slice %arg4[%add3A_199, %dma_wait3A_208] : memref<819200x32xf32, #tpu.memory_space<hbm>> -> memref<1600x32xf32, #tpu.memory_space<hbm>>
    %dma_wait3A_210 = arith.constant 0 : i32
    %dma_wait3A_211 = tpu.memref_slice %arg4[%add3A_199, %dma_wait3A_210] : memref<819200x32xf32, #tpu.memory_space<hbm>> -> memref<1600x32xf32, #tpu.memory_space<hbm>>
    tpu.wait_dma2 semaphore(%arg13 : memref<!tpu.dma_semaphore, #tpu.memory_space<semaphore_mem>>) src(%arg7 : memref<1600x32xf32, #tpu.memory_space<vmem>>) dst(%dma_wait3A_211 : memref<1600x32xf32, #tpu.memory_space<hbm>>)
    %dma_wait3A_212 = tpu.memref_slice %arg2[%add3A_205] : memref<819200xi32, #tpu.memory_space<hbm>> -> memref<1600xi32, #tpu.memory_space<hbm>>
    %dma_wait3A_213 = tpu.memref_slice %arg2[%add3A_205] : memref<819200xi32, #tpu.memory_space<hbm>> -> memref<1600xi32, #tpu.memory_space<hbm>>
    tpu.wait_dma2 semaphore(%arg9 : memref<!tpu.dma_semaphore, #tpu.memory_space<semaphore_mem>>) src(%dma_wait3A_213 : memref<1600xi32, #tpu.memory_space<hbm>>) dst(%arg5 : memref<1600xi32, #tpu.memory_space<vmem>>)
    %dma_start3A_214 = arith.constant 0 : i32
    %dma_start3A_215 = arith.constant 0 : i32
    %dma_start3A_216 = tpu.memref_slice %arg3[%dma_start3A_214, %dma_start3A_215] : memref<1000000x32xf32, #tpu.memory_space<hbm>> -> memref<1000000x32xf32, #tpu.memory_space<hbm>>
    tpu.enqueue_indirect_dma source(%dma_start3A_216 : memref<1000000x32xf32, #tpu.memory_space<hbm>>) target(%arg7 : memref<1600x32xf32, #tpu.memory_space<vmem>>) offsets(%arg5 : memref<1600xi32, #tpu.memory_space<vmem>>) semaphore(%arg11 : memref<!tpu.dma_semaphore, #tpu.memory_space<semaphore_mem>>)
    %dma_wait3A_217 = arith.constant 0 : i32
    %dma_wait3A_218 = arith.constant 0 : i32
    %dma_wait3A_219 = tpu.memref_slice %arg3[%dma_wait3A_217, %dma_wait3A_218] : memref<1000000x32xf32, #tpu.memory_space<hbm>> -> memref<1000000x32xf32, #tpu.memory_space<hbm>>
    tpu.wait_indirect_dma semaphore(%arg12 : memref<!tpu.dma_semaphore, #tpu.memory_space<semaphore_mem>>) src(%dma_wait3A_219 : memref<1000000x32xf32, #tpu.memory_space<hbm>>) dst(%arg8 : memref<1600x32xf32, #tpu.memory_space<vmem>>)
    %add3A_220 = arith.constant 14400 : i32
    %add3A_221 = arith.addi %mul3A_2, %add3A_220 : i32
    %dma_start3A_222 = arith.constant 0 : i32
    %dma_start3A_223 = tpu.memref_slice %arg4[%add3A_221, %dma_start3A_222] : memref<819200x32xf32, #tpu.memory_space<hbm>> -> memref<1600x32xf32, #tpu.memory_space<hbm>>
    %dma_start3A_224 = arith.constant 0 : i32
    %dma_start3A_225 = tpu.memref_slice %arg4[%add3A_221, %dma_start3A_224] : memref<819200x32xf32, #tpu.memory_space<hbm>> -> memref<1600x32xf32, #tpu.memory_space<hbm>>
    tpu.enqueue_dma source(%arg8 : memref<1600x32xf32, #tpu.memory_space<vmem>>) target(%dma_start3A_225 : memref<1600x32xf32, #tpu.memory_space<hbm>>) target_semaphore(%arg14 : memref<!tpu.dma_semaphore, #tpu.memory_space<semaphore_mem>>)
    %add3A_226 = arith.constant 17600 : i32
    %add3A_227 = arith.addi %mul3A_2, %add3A_226 : i32
    %dma_start3A_228 = tpu.memref_slice %arg2[%add3A_227] : memref<819200xi32, #tpu.memory_space<hbm>> -> memref<1600xi32, #tpu.memory_space<hbm>>
    %dma_start3A_229 = tpu.memref_slice %arg2[%add3A_227] : memref<819200xi32, #tpu.memory_space<hbm>> -> memref<1600xi32, #tpu.memory_space<hbm>>
    tpu.enqueue_dma source(%dma_start3A_229 : memref<1600xi32, #tpu.memory_space<hbm>>) target(%arg6 : memref<1600xi32, #tpu.memory_space<vmem>>) target_semaphore(%arg10 : memref<!tpu.dma_semaphore, #tpu.memory_space<semaphore_mem>>)
    %dma_wait3A_230 = arith.constant 0 : i32
    %dma_wait3A_231 = tpu.memref_slice %arg4[%add3A_221, %dma_wait3A_230] : memref<819200x32xf32, #tpu.memory_space<hbm>> -> memref<1600x32xf32, #tpu.memory_space<hbm>>
    %dma_wait3A_232 = arith.constant 0 : i32
    %dma_wait3A_233 = tpu.memref_slice %arg4[%add3A_221, %dma_wait3A_232] : memref<819200x32xf32, #tpu.memory_space<hbm>> -> memref<1600x32xf32, #tpu.memory_space<hbm>>
    tpu.wait_dma2 semaphore(%arg14 : memref<!tpu.dma_semaphore, #tpu.memory_space<semaphore_mem>>) src(%arg8 : memref<1600x32xf32, #tpu.memory_space<vmem>>) dst(%dma_wait3A_233 : memref<1600x32xf32, #tpu.memory_space<hbm>>)
    %dma_wait3A_234 = tpu.memref_slice %arg2[%add3A_227] : memref<819200xi32, #tpu.memory_space<hbm>> -> memref<1600xi32, #tpu.memory_space<hbm>>
    %dma_wait3A_235 = tpu.memref_slice %arg2[%add3A_227] : memref<819200xi32, #tpu.memory_space<hbm>> -> memref<1600xi32, #tpu.memory_space<hbm>>
    tpu.wait_dma2 semaphore(%arg10 : memref<!tpu.dma_semaphore, #tpu.memory_space<semaphore_mem>>) src(%dma_wait3A_235 : memref<1600xi32, #tpu.memory_space<hbm>>) dst(%arg6 : memref<1600xi32, #tpu.memory_space<vmem>>)
    %dma_start3A_236 = arith.constant 0 : i32
    %dma_start3A_237 = arith.constant 0 : i32
    %dma_start3A_238 = tpu.memref_slice %arg3[%dma_start3A_236, %dma_start3A_237] : memref<1000000x32xf32, #tpu.memory_space<hbm>> -> memref<1000000x32xf32, #tpu.memory_space<hbm>>
    tpu.enqueue_indirect_dma source(%dma_start3A_238 : memref<1000000x32xf32, #tpu.memory_space<hbm>>) target(%arg8 : memref<1600x32xf32, #tpu.memory_space<vmem>>) offsets(%arg6 : memref<1600xi32, #tpu.memory_space<vmem>>) semaphore(%arg12 : memref<!tpu.dma_semaphore, #tpu.memory_space<semaphore_mem>>)
    %dma_wait3A_239 = arith.constant 0 : i32
    %dma_wait3A_240 = arith.constant 0 : i32
    %dma_wait3A_241 = tpu.memref_slice %arg3[%dma_wait3A_239, %dma_wait3A_240] : memref<1000000x32xf32, #tpu.memory_space<hbm>> -> memref<1000000x32xf32, #tpu.memory_space<hbm>>
    tpu.wait_indirect_dma semaphore(%arg11 : memref<!tpu.dma_semaphore, #tpu.memory_space<semaphore_mem>>) src(%dma_wait3A_241 : memref<1000000x32xf32, #tpu.memory_space<hbm>>) dst(%arg7 : memref<1600x32xf32, #tpu.memory_space<vmem>>)
    %add3A_242 = arith.constant 16000 : i32
    %add3A_243 = arith.addi %mul3A_2, %add3A_242 : i32
    %dma_start3A_244 = arith.constant 0 : i32
    %dma_start3A_245 = tpu.memref_slice %arg4[%add3A_243, %dma_start3A_244] : memref<819200x32xf32, #tpu.memory_space<hbm>> -> memref<1600x32xf32, #tpu.memory_space<hbm>>
    %dma_start3A_246 = arith.constant 0 : i32
    %dma_start3A_247 = tpu.memref_slice %arg4[%add3A_243, %dma_start3A_246] : memref<819200x32xf32, #tpu.memory_space<hbm>> -> memref<1600x32xf32, #tpu.memory_space<hbm>>
    tpu.enqueue_dma source(%arg7 : memref<1600x32xf32, #tpu.memory_space<vmem>>) target(%dma_start3A_247 : memref<1600x32xf32, #tpu.memory_space<hbm>>) target_semaphore(%arg13 : memref<!tpu.dma_semaphore, #tpu.memory_space<semaphore_mem>>)
    %add3A_248 = arith.constant 19200 : i32
    %add3A_249 = arith.addi %mul3A_2, %add3A_248 : i32
    %dma_start3A_250 = tpu.memref_slice %arg2[%add3A_249] : memref<819200xi32, #tpu.memory_space<hbm>> -> memref<1600xi32, #tpu.memory_space<hbm>>
    %dma_start3A_251 = tpu.memref_slice %arg2[%add3A_249] : memref<819200xi32, #tpu.memory_space<hbm>> -> memref<1600xi32, #tpu.memory_space<hbm>>
    tpu.enqueue_dma source(%dma_start3A_251 : memref<1600xi32, #tpu.memory_space<hbm>>) target(%arg5 : memref<1600xi32, #tpu.memory_space<vmem>>) target_semaphore(%arg9 : memref<!tpu.dma_semaphore, #tpu.memory_space<semaphore_mem>>)
    %dma_wait3A_252 = arith.constant 0 : i32
    %dma_wait3A_253 = tpu.memref_slice %arg4[%add3A_243, %dma_wait3A_252] : memref<819200x32xf32, #tpu.memory_space<hbm>> -> memref<1600x32xf32, #tpu.memory_space<hbm>>
    %dma_wait3A_254 = arith.constant 0 : i32
    %dma_wait3A_255 = tpu.memref_slice %arg4[%add3A_243, %dma_wait3A_254] : memref<819200x32xf32, #tpu.memory_space<hbm>> -> memref<1600x32xf32, #tpu.memory_space<hbm>>
    tpu.wait_dma2 semaphore(%arg13 : memref<!tpu.dma_semaphore, #tpu.memory_space<semaphore_mem>>) src(%arg7 : memref<1600x32xf32, #tpu.memory_space<vmem>>) dst(%dma_wait3A_255 : memref<1600x32xf32, #tpu.memory_space<hbm>>)
    %dma_wait3A_256 = tpu.memref_slice %arg2[%add3A_249] : memref<819200xi32, #tpu.memory_space<hbm>> -> memref<1600xi32, #tpu.memory_space<hbm>>
    %dma_wait3A_257 = tpu.memref_slice %arg2[%add3A_249] : memref<819200xi32, #tpu.memory_space<hbm>> -> memref<1600xi32, #tpu.memory_space<hbm>>
    tpu.wait_dma2 semaphore(%arg9 : memref<!tpu.dma_semaphore, #tpu.memory_space<semaphore_mem>>) src(%dma_wait3A_257 : memref<1600xi32, #tpu.memory_space<hbm>>) dst(%arg5 : memref<1600xi32, #tpu.memory_space<vmem>>)
    %dma_start3A_258 = arith.constant 0 : i32
    %dma_start3A_259 = arith.constant 0 : i32
    %dma_start3A_260 = tpu.memref_slice %arg3[%dma_start3A_258, %dma_start3A_259] : memref<1000000x32xf32, #tpu.memory_space<hbm>> -> memref<1000000x32xf32, #tpu.memory_space<hbm>>
    tpu.enqueue_indirect_dma source(%dma_start3A_260 : memref<1000000x32xf32, #tpu.memory_space<hbm>>) target(%arg7 : memref<1600x32xf32, #tpu.memory_space<vmem>>) offsets(%arg5 : memref<1600xi32, #tpu.memory_space<vmem>>) semaphore(%arg11 : memref<!tpu.dma_semaphore, #tpu.memory_space<semaphore_mem>>)
    %dma_wait3A_261 = arith.constant 0 : i32
    %dma_wait3A_262 = arith.constant 0 : i32
    %dma_wait3A_263 = tpu.memref_slice %arg3[%dma_wait3A_261, %dma_wait3A_262] : memref<1000000x32xf32, #tpu.memory_space<hbm>> -> memref<1000000x32xf32, #tpu.memory_space<hbm>>
    tpu.wait_indirect_dma semaphore(%arg12 : memref<!tpu.dma_semaphore, #tpu.memory_space<semaphore_mem>>) src(%dma_wait3A_263 : memref<1000000x32xf32, #tpu.memory_space<hbm>>) dst(%arg8 : memref<1600x32xf32, #tpu.memory_space<vmem>>)
    %add3A_264 = arith.constant 17600 : i32
    %add3A_265 = arith.addi %mul3A_2, %add3A_264 : i32
    %dma_start3A_266 = arith.constant 0 : i32
    %dma_start3A_267 = tpu.memref_slice %arg4[%add3A_265, %dma_start3A_266] : memref<819200x32xf32, #tpu.memory_space<hbm>> -> memref<1600x32xf32, #tpu.memory_space<hbm>>
    %dma_start3A_268 = arith.constant 0 : i32
    %dma_start3A_269 = tpu.memref_slice %arg4[%add3A_265, %dma_start3A_268] : memref<819200x32xf32, #tpu.memory_space<hbm>> -> memref<1600x32xf32, #tpu.memory_space<hbm>>
    tpu.enqueue_dma source(%arg8 : memref<1600x32xf32, #tpu.memory_space<vmem>>) target(%dma_start3A_269 : memref<1600x32xf32, #tpu.memory_space<hbm>>) target_semaphore(%arg14 : memref<!tpu.dma_semaphore, #tpu.memory_space<semaphore_mem>>)
    %add3A_270 = arith.constant 20800 : i32
    %add3A_271 = arith.addi %mul3A_2, %add3A_270 : i32
    %dma_start3A_272 = tpu.memref_slice %arg2[%add3A_271] : memref<819200xi32, #tpu.memory_space<hbm>> -> memref<1600xi32, #tpu.memory_space<hbm>>
    %dma_start3A_273 = tpu.memref_slice %arg2[%add3A_271] : memref<819200xi32, #tpu.memory_space<hbm>> -> memref<1600xi32, #tpu.memory_space<hbm>>
    tpu.enqueue_dma source(%dma_start3A_273 : memref<1600xi32, #tpu.memory_space<hbm>>) target(%arg6 : memref<1600xi32, #tpu.memory_space<vmem>>) target_semaphore(%arg10 : memref<!tpu.dma_semaphore, #tpu.memory_space<semaphore_mem>>)
    %dma_wait3A_274 = arith.constant 0 : i32
    %dma_wait3A_275 = tpu.memref_slice %arg4[%add3A_265, %dma_wait3A_274] : memref<819200x32xf32, #tpu.memory_space<hbm>> -> memref<1600x32xf32, #tpu.memory_space<hbm>>
    %dma_wait3A_276 = arith.constant 0 : i32
    %dma_wait3A_277 = tpu.memref_slice %arg4[%add3A_265, %dma_wait3A_276] : memref<819200x32xf32, #tpu.memory_space<hbm>> -> memref<1600x32xf32, #tpu.memory_space<hbm>>
    tpu.wait_dma2 semaphore(%arg14 : memref<!tpu.dma_semaphore, #tpu.memory_space<semaphore_mem>>) src(%arg8 : memref<1600x32xf32, #tpu.memory_space<vmem>>) dst(%dma_wait3A_277 : memref<1600x32xf32, #tpu.memory_space<hbm>>)
    %dma_wait3A_278 = tpu.memref_slice %arg2[%add3A_271] : memref<819200xi32, #tpu.memory_space<hbm>> -> memref<1600xi32, #tpu.memory_space<hbm>>
    %dma_wait3A_279 = tpu.memref_slice %arg2[%add3A_271] : memref<819200xi32, #tpu.memory_space<hbm>> -> memref<1600xi32, #tpu.memory_space<hbm>>
    tpu.wait_dma2 semaphore(%arg10 : memref<!tpu.dma_semaphore, #tpu.memory_space<semaphore_mem>>) src(%dma_wait3A_279 : memref<1600xi32, #tpu.memory_space<hbm>>) dst(%arg6 : memref<1600xi32, #tpu.memory_space<vmem>>)
    %dma_start3A_280 = arith.constant 0 : i32
    %dma_start3A_281 = arith.constant 0 : i32
    %dma_start3A_282 = tpu.memref_slice %arg3[%dma_start3A_280, %dma_start3A_281] : memref<1000000x32xf32, #tpu.memory_space<hbm>> -> memref<1000000x32xf32, #tpu.memory_space<hbm>>
    tpu.enqueue_indirect_dma source(%dma_start3A_282 : memref<1000000x32xf32, #tpu.memory_space<hbm>>) target(%arg8 : memref<1600x32xf32, #tpu.memory_space<vmem>>) offsets(%arg6 : memref<1600xi32, #tpu.memory_space<vmem>>) semaphore(%arg12 : memref<!tpu.dma_semaphore, #tpu.memory_space<semaphore_mem>>)
    %dma_wait3A_283 = arith.constant 0 : i32
    %dma_wait3A_284 = arith.constant 0 : i32
    %dma_wait3A_285 = tpu.memref_slice %arg3[%dma_wait3A_283, %dma_wait3A_284] : memref<1000000x32xf32, #tpu.memory_space<hbm>> -> memref<1000000x32xf32, #tpu.memory_space<hbm>>
    tpu.wait_indirect_dma semaphore(%arg11 : memref<!tpu.dma_semaphore, #tpu.memory_space<semaphore_mem>>) src(%dma_wait3A_285 : memref<1000000x32xf32, #tpu.memory_space<hbm>>) dst(%arg7 : memref<1600x32xf32, #tpu.memory_space<vmem>>)
    %add3A_286 = arith.constant 19200 : i32
    %add3A_287 = arith.addi %mul3A_2, %add3A_286 : i32
    %dma_start3A_288 = arith.constant 0 : i32
    %dma_start3A_289 = tpu.memref_slice %arg4[%add3A_287, %dma_start3A_288] : memref<819200x32xf32, #tpu.memory_space<hbm>> -> memref<1600x32xf32, #tpu.memory_space<hbm>>
    %dma_start3A_290 = arith.constant 0 : i32
    %dma_start3A_291 = tpu.memref_slice %arg4[%add3A_287, %dma_start3A_290] : memref<819200x32xf32, #tpu.memory_space<hbm>> -> memref<1600x32xf32, #tpu.memory_space<hbm>>
    tpu.enqueue_dma source(%arg7 : memref<1600x32xf32, #tpu.memory_space<vmem>>) target(%dma_start3A_291 : memref<1600x32xf32, #tpu.memory_space<hbm>>) target_semaphore(%arg13 : memref<!tpu.dma_semaphore, #tpu.memory_space<semaphore_mem>>)
    %add3A_292 = arith.constant 22400 : i32
    %add3A_293 = arith.addi %mul3A_2, %add3A_292 : i32
    %dma_start3A_294 = tpu.memref_slice %arg2[%add3A_293] : memref<819200xi32, #tpu.memory_space<hbm>> -> memref<1600xi32, #tpu.memory_space<hbm>>
    %dma_start3A_295 = tpu.memref_slice %arg2[%add3A_293] : memref<819200xi32, #tpu.memory_space<hbm>> -> memref<1600xi32, #tpu.memory_space<hbm>>
    tpu.enqueue_dma source(%dma_start3A_295 : memref<1600xi32, #tpu.memory_space<hbm>>) target(%arg5 : memref<1600xi32, #tpu.memory_space<vmem>>) target_semaphore(%arg9 : memref<!tpu.dma_semaphore, #tpu.memory_space<semaphore_mem>>)
    %dma_wait3A_296 = arith.constant 0 : i32
    %dma_wait3A_297 = tpu.memref_slice %arg4[%add3A_287, %dma_wait3A_296] : memref<819200x32xf32, #tpu.memory_space<hbm>> -> memref<1600x32xf32, #tpu.memory_space<hbm>>
    %dma_wait3A_298 = arith.constant 0 : i32
    %dma_wait3A_299 = tpu.memref_slice %arg4[%add3A_287, %dma_wait3A_298] : memref<819200x32xf32, #tpu.memory_space<hbm>> -> memref<1600x32xf32, #tpu.memory_space<hbm>>
    tpu.wait_dma2 semaphore(%arg13 : memref<!tpu.dma_semaphore, #tpu.memory_space<semaphore_mem>>) src(%arg7 : memref<1600x32xf32, #tpu.memory_space<vmem>>) dst(%dma_wait3A_299 : memref<1600x32xf32, #tpu.memory_space<hbm>>)
    %dma_wait3A_300 = tpu.memref_slice %arg2[%add3A_293] : memref<819200xi32, #tpu.memory_space<hbm>> -> memref<1600xi32, #tpu.memory_space<hbm>>
    %dma_wait3A_301 = tpu.memref_slice %arg2[%add3A_293] : memref<819200xi32, #tpu.memory_space<hbm>> -> memref<1600xi32, #tpu.memory_space<hbm>>
    tpu.wait_dma2 semaphore(%arg9 : memref<!tpu.dma_semaphore, #tpu.memory_space<semaphore_mem>>) src(%dma_wait3A_301 : memref<1600xi32, #tpu.memory_space<hbm>>) dst(%arg5 : memref<1600xi32, #tpu.memory_space<vmem>>)
    %dma_start3A_302 = arith.constant 0 : i32
    %dma_start3A_303 = arith.constant 0 : i32
    %dma_start3A_304 = tpu.memref_slice %arg3[%dma_start3A_302, %dma_start3A_303] : memref<1000000x32xf32, #tpu.memory_space<hbm>> -> memref<1000000x32xf32, #tpu.memory_space<hbm>>
    tpu.enqueue_indirect_dma source(%dma_start3A_304 : memref<1000000x32xf32, #tpu.memory_space<hbm>>) target(%arg7 : memref<1600x32xf32, #tpu.memory_space<vmem>>) offsets(%arg5 : memref<1600xi32, #tpu.memory_space<vmem>>) semaphore(%arg11 : memref<!tpu.dma_semaphore, #tpu.memory_space<semaphore_mem>>)
    %dma_wait3A_305 = arith.constant 0 : i32
    %dma_wait3A_306 = arith.constant 0 : i32
    %dma_wait3A_307 = tpu.memref_slice %arg3[%dma_wait3A_305, %dma_wait3A_306] : memref<1000000x32xf32, #tpu.memory_space<hbm>> -> memref<1000000x32xf32, #tpu.memory_space<hbm>>
    tpu.wait_indirect_dma semaphore(%arg12 : memref<!tpu.dma_semaphore, #tpu.memory_space<semaphore_mem>>) src(%dma_wait3A_307 : memref<1000000x32xf32, #tpu.memory_space<hbm>>) dst(%arg8 : memref<1600x32xf32, #tpu.memory_space<vmem>>)
    %add3A_308 = arith.constant 20800 : i32
    %add3A_309 = arith.addi %mul3A_2, %add3A_308 : i32
    %dma_start3A_310 = arith.constant 0 : i32
    %dma_start3A_311 = tpu.memref_slice %arg4[%add3A_309, %dma_start3A_310] : memref<819200x32xf32, #tpu.memory_space<hbm>> -> memref<1600x32xf32, #tpu.memory_space<hbm>>
    %dma_start3A_312 = arith.constant 0 : i32
    %dma_start3A_313 = tpu.memref_slice %arg4[%add3A_309, %dma_start3A_312] : memref<819200x32xf32, #tpu.memory_space<hbm>> -> memref<1600x32xf32, #tpu.memory_space<hbm>>
    tpu.enqueue_dma source(%arg8 : memref<1600x32xf32, #tpu.memory_space<vmem>>) target(%dma_start3A_313 : memref<1600x32xf32, #tpu.memory_space<hbm>>) target_semaphore(%arg14 : memref<!tpu.dma_semaphore, #tpu.memory_space<semaphore_mem>>)
    %add3A_314 = arith.constant 24000 : i32
    %add3A_315 = arith.addi %mul3A_2, %add3A_314 : i32
    %dma_start3A_316 = tpu.memref_slice %arg2[%add3A_315] : memref<819200xi32, #tpu.memory_space<hbm>> -> memref<1600xi32, #tpu.memory_space<hbm>>
    %dma_start3A_317 = tpu.memref_slice %arg2[%add3A_315] : memref<819200xi32, #tpu.memory_space<hbm>> -> memref<1600xi32, #tpu.memory_space<hbm>>
    tpu.enqueue_dma source(%dma_start3A_317 : memref<1600xi32, #tpu.memory_space<hbm>>) target(%arg6 : memref<1600xi32, #tpu.memory_space<vmem>>) target_semaphore(%arg10 : memref<!tpu.dma_semaphore, #tpu.memory_space<semaphore_mem>>)
    %dma_wait3A_318 = arith.constant 0 : i32
    %dma_wait3A_319 = tpu.memref_slice %arg4[%add3A_309, %dma_wait3A_318] : memref<819200x32xf32, #tpu.memory_space<hbm>> -> memref<1600x32xf32, #tpu.memory_space<hbm>>
    %dma_wait3A_320 = arith.constant 0 : i32
    %dma_wait3A_321 = tpu.memref_slice %arg4[%add3A_309, %dma_wait3A_320] : memref<819200x32xf32, #tpu.memory_space<hbm>> -> memref<1600x32xf32, #tpu.memory_space<hbm>>
    tpu.wait_dma2 semaphore(%arg14 : memref<!tpu.dma_semaphore, #tpu.memory_space<semaphore_mem>>) src(%arg8 : memref<1600x32xf32, #tpu.memory_space<vmem>>) dst(%dma_wait3A_321 : memref<1600x32xf32, #tpu.memory_space<hbm>>)
    %dma_wait3A_322 = tpu.memref_slice %arg2[%add3A_315] : memref<819200xi32, #tpu.memory_space<hbm>> -> memref<1600xi32, #tpu.memory_space<hbm>>
    %dma_wait3A_323 = tpu.memref_slice %arg2[%add3A_315] : memref<819200xi32, #tpu.memory_space<hbm>> -> memref<1600xi32, #tpu.memory_space<hbm>>
    tpu.wait_dma2 semaphore(%arg10 : memref<!tpu.dma_semaphore, #tpu.memory_space<semaphore_mem>>) src(%dma_wait3A_323 : memref<1600xi32, #tpu.memory_space<hbm>>) dst(%arg6 : memref<1600xi32, #tpu.memory_space<vmem>>)
    %dma_start3A_324 = arith.constant 0 : i32
    %dma_start3A_325 = arith.constant 0 : i32
    %dma_start3A_326 = tpu.memref_slice %arg3[%dma_start3A_324, %dma_start3A_325] : memref<1000000x32xf32, #tpu.memory_space<hbm>> -> memref<1000000x32xf32, #tpu.memory_space<hbm>>
    tpu.enqueue_indirect_dma source(%dma_start3A_326 : memref<1000000x32xf32, #tpu.memory_space<hbm>>) target(%arg8 : memref<1600x32xf32, #tpu.memory_space<vmem>>) offsets(%arg6 : memref<1600xi32, #tpu.memory_space<vmem>>) semaphore(%arg12 : memref<!tpu.dma_semaphore, #tpu.memory_space<semaphore_mem>>)
    %dma_wait3A_327 = arith.constant 0 : i32
    %dma_wait3A_328 = arith.constant 0 : i32
    %dma_wait3A_329 = tpu.memref_slice %arg3[%dma_wait3A_327, %dma_wait3A_328] : memref<1000000x32xf32, #tpu.memory_space<hbm>> -> memref<1000000x32xf32, #tpu.memory_space<hbm>>
    tpu.wait_indirect_dma semaphore(%arg11 : memref<!tpu.dma_semaphore, #tpu.memory_space<semaphore_mem>>) src(%dma_wait3A_329 : memref<1000000x32xf32, #tpu.memory_space<hbm>>) dst(%arg7 : memref<1600x32xf32, #tpu.memory_space<vmem>>)
    %add3A_330 = arith.constant 22400 : i32
    %add3A_331 = arith.addi %mul3A_2, %add3A_330 : i32
    %dma_start3A_332 = arith.constant 0 : i32
    %dma_start3A_333 = tpu.memref_slice %arg4[%add3A_331, %dma_start3A_332] : memref<819200x32xf32, #tpu.memory_space<hbm>> -> memref<1600x32xf32, #tpu.memory_space<hbm>>
    %dma_start3A_334 = arith.constant 0 : i32
    %dma_start3A_335 = tpu.memref_slice %arg4[%add3A_331, %dma_start3A_334] : memref<819200x32xf32, #tpu.memory_space<hbm>> -> memref<1600x32xf32, #tpu.memory_space<hbm>>
    tpu.enqueue_dma source(%arg7 : memref<1600x32xf32, #tpu.memory_space<vmem>>) target(%dma_start3A_335 : memref<1600x32xf32, #tpu.memory_space<hbm>>) target_semaphore(%arg13 : memref<!tpu.dma_semaphore, #tpu.memory_space<semaphore_mem>>)
    %dma_wait3A_336 = arith.constant 0 : i32
    %dma_wait3A_337 = arith.constant 0 : i32
    %dma_wait3A_338 = tpu.memref_slice %arg3[%dma_wait3A_336, %dma_wait3A_337] : memref<1000000x32xf32, #tpu.memory_space<hbm>> -> memref<1000000x32xf32, #tpu.memory_space<hbm>>
    tpu.wait_indirect_dma semaphore(%arg12 : memref<!tpu.dma_semaphore, #tpu.memory_space<semaphore_mem>>) src(%dma_wait3A_338 : memref<1000000x32xf32, #tpu.memory_space<hbm>>) dst(%arg8 : memref<1600x32xf32, #tpu.memory_space<vmem>>)
    %add3A_339 = arith.constant 24000 : i32
    %add3A_340 = arith.addi %mul3A_2, %add3A_339 : i32
    %dma_start3A_341 = arith.constant 0 : i32
    %dma_start3A_342 = tpu.memref_slice %arg4[%add3A_340, %dma_start3A_341] : memref<819200x32xf32, #tpu.memory_space<hbm>> -> memref<1600x32xf32, #tpu.memory_space<hbm>>
    %dma_start3A_343 = arith.constant 0 : i32
    %dma_start3A_344 = tpu.memref_slice %arg4[%add3A_340, %dma_start3A_343] : memref<819200x32xf32, #tpu.memory_space<hbm>> -> memref<1600x32xf32, #tpu.memory_space<hbm>>
    tpu.enqueue_dma source(%arg8 : memref<1600x32xf32, #tpu.memory_space<vmem>>) target(%dma_start3A_344 : memref<1600x32xf32, #tpu.memory_space<hbm>>) target_semaphore(%arg14 : memref<!tpu.dma_semaphore, #tpu.memory_space<semaphore_mem>>)
    %dma_wait3A_345 = arith.constant 0 : i32
    %dma_wait3A_346 = tpu.memref_slice %arg4[%add3A_331, %dma_wait3A_345] : memref<819200x32xf32, #tpu.memory_space<hbm>> -> memref<1600x32xf32, #tpu.memory_space<hbm>>
    %dma_wait3A_347 = arith.constant 0 : i32
    %dma_wait3A_348 = tpu.memref_slice %arg4[%add3A_331, %dma_wait3A_347] : memref<819200x32xf32, #tpu.memory_space<hbm>> -> memref<1600x32xf32, #tpu.memory_space<hbm>>
    tpu.wait_dma2 semaphore(%arg13 : memref<!tpu.dma_semaphore, #tpu.memory_space<semaphore_mem>>) src(%arg7 : memref<1600x32xf32, #tpu.memory_space<vmem>>) dst(%dma_wait3A_348 : memref<1600x32xf32, #tpu.memory_space<hbm>>)
    %dma_wait3A_349 = arith.constant 0 : i32
    %dma_wait3A_350 = tpu.memref_slice %arg4[%add3A_340, %dma_wait3A_349] : memref<819200x32xf32, #tpu.memory_space<hbm>> -> memref<1600x32xf32, #tpu.memory_space<hbm>>
    %dma_wait3A_351 = arith.constant 0 : i32
    %dma_wait3A_352 = tpu.memref_slice %arg4[%add3A_340, %dma_wait3A_351] : memref<819200x32xf32, #tpu.memory_space<hbm>> -> memref<1600x32xf32, #tpu.memory_space<hbm>>
    tpu.wait_dma2 semaphore(%arg14 : memref<!tpu.dma_semaphore, #tpu.memory_space<semaphore_mem>>) src(%arg8 : memref<1600x32xf32, #tpu.memory_space<vmem>>) dst(%dma_wait3A_352 : memref<1600x32xf32, #tpu.memory_space<hbm>>)
    return
  }
}

</mosaic_0001>

<sc_bundles>
// kernel: kernel.3.cloned.1.call-start
scs
__scs_entry_jumppad:
0x0: {  	(pc) =	sbr.rel $0x88, $3  }
0x1: {  	(tag) =	ssettag $0x0;
	lr =	simm.s32 $0x1  }
0x2: {  	[smem:$0x3F9F] =	sst lr;
	_ =	strace $0xD0000000  }
0x3: {  	_ = 	snop  }
0x4: {  	_ = 	snop  }
0x5: {  	_ = 	snop  }
0x6: {  	_ = 	snop  }
0x7: {  	_ = 	snop  }
__scs_overlays_trampoline_lowered:
0x8: {  	[smem:$0x3FAE] =	sst s0  }
0x9: {  	[smem:$0x3FAF] =	sst s1  }
0xa: {  	[smem:$0x3FB0] =	sst s2  }
0xb: {  	[smem:$0x3FB1] =	sst s3  }
0xc: {  	[smem:$0x3FB2] =	sst s4  }
0xd: {  	[smem:$0x3FB3] =	sst s5  }
0xe: {  	[smem:$0x3FB4] =	sst s6  }
0xf: {  	[smem:$0x3FB5] =	sst s7  }
0x10: {  	[smem:$0x3FB6] =	sst s8  }
0x11: {  	[smem:$0x3FB7] =	sst s9;
	s0 =	simm.s32 @!p0 $0x0  }
0x12: {  	s1 =	sld [smem:$0x3F9D];
	s0 =	simm.s32 @p0 $0x1  }
0x13: {  	[smem:$0x3FB8] =	sst s0;
	s0 =	simm.s32 @!p1 $0x0  }
0x14: {  	s2 =	sld [smem:$0x3F9C];
	s0 =	simm.s32 @p1 $0x1  }
0x15: {  	[smem:$0x3FB9] =	sst s0;
	s0 =	simm.s32 @!p2 $0x0  }
0x16: {  	s3 =	sld [smem:$0x3FDB];
	s0 =	simm.s32 @p2 $0x1  }
0x17: {  	s4 =	simm.s32 $0x1BF5;
	[smem:$0x3FBB] =	sst s0  }
0x18: {  	s0 =	sld [smem:$0x3F9E];
	_ =	swait.ge [sflag:s4], $0x0  }
0x19: {  	s7 =	sld [smem:$0x3F9F]  }
0x1a: {  	s8 =	sadd.s32 $0xFFFFE003, lr  }
0x1b: {  	s9 =	sadd.s32 $0xFFFFFEF7, lr;
	s5 =	simm.s32 $0xFFFFFFFF;
	p2 =	slt.u32 s8, $0xFFFFF086  }
0x1c: {  	p1 =	slt.u32 s9, $0xF7A;
	s5 =	simm.s32 @!p2 $0x0  }
0x1d: {  	s5 =	simm.s32 @p1 $0x1;
	p0 =	seq.s32 s7, s2  }
0x1e: {  	s7 =	smul.u32 @!p0 $0xF7A, s2;
	p2 =	seq.s32 @!p0 s5, $0x0  }
0x1f: {  	s9 =	smul.u32 $0xF7A, s1;
	s8 =	simm.s32 @!p0 $0x1BF5;
	p2 =	por !p2, p0  }
0x20: {  	[sflag:s8] =	ssyncset.s32 @!p0 $0xFFFFF086;
	s6 =	sadd.s32 @!p0 s3, s7;
	s7 =	simm.s32 @!p0 $0x108  }
0x21: {  	s3 =	sadd.s32 s3, s9;
	s6 =	sadd.s32 @!p0 $0x88, s6;
	s7 =	simm.s32 @p2 $0x1082  }
0x22: {  	[simem:s7], [sflag:s8] =	dma.local @!p0 [hbm:s6], $0xF7A  }
0x23: {  	s9 =	sor.u32 $0xD0000000, s2;
	s6 =	simm.s32 $0x108;
	_ =	swait.ge @!p0 [sflag:s8], $0x0  }
0x24: {  	s3 =	sadd.s32 $0x88, s3;
	s6 =	simm.s32 @!p1 $0x1082;
	[sflag:s4] =	ssyncset.s32 $0xFFFFF086  }
0x25: {  	[simem:s6], [sflag:s4] =	dma.local [hbm:s3], $0xF7A  }
0x26: {  	[smem:$0x3F9F] =	sst s1;
	(tag) =	ssettag s2;
	_ =	strace s9  }
0x27: {  	s1 =	sld [smem:$0x3FAF]  }
0x28: {  	s2 =	sld [smem:$0x3FB0]  }
0x29: {  	s4 =	sld [smem:$0x3FB2]  }
0x2a: {  	p0 =	seq.s32 s5, $0x0;
	s5 =	sld [smem:$0x3FB3]  }
0x2b: {  	s6 =	sld [smem:$0x3FB4]  }
0x2c: {  	s7 =	sld [smem:$0x3FB5]  }
0x2d: {  	s3 =	simm.s32 $0x108;
	s8 =	sld [smem:$0x3FB6]  }
0x2e: {  	s3 =	simm.s32 @!p0 $0x1082;
	s9 =	sld [smem:$0x3FB7]  }
0x2f: {  	lr =	sadd.s32 s0, s3;
	s0 =	sld [smem:$0x3FAE]  }
0x30: {  	s3 =	sld [smem:$0x3FB1]  }
0x31: {  	[smem:$0x3FBA] =	sst s10  }
0x32: {  	s10 =	sld [smem:$0x3FB8];
	_ =	sdelay $0x3  }
0x33: {  	p0 =	seq.s32 s10, $0x1;
	s10 =	sld [smem:$0x3FBA];
	_ =	sdelay $0x3  }
0x34: {  	[smem:$0x3FBA] =	sst s10  }
0x35: {  	s10 =	sld [smem:$0x3FB9];
	_ =	sdelay $0x3  }
0x36: {  	p1 =	seq.s32 s10, $0x1;
	s10 =	sld [smem:$0x3FBA];
	_ =	sdelay $0x3  }
0x37: {  	[smem:$0x3FBA] =	sst s10  }
0x38: {  	s10 =	sld [smem:$0x3FBB]  }
0x39: {  	_ = 	snop;
	(pc) =	sbr.ind lr, $3  }
0x3a: {  	_ = 	snop  }
0x3b: {  	_ = 	snop  }
0x3c: {  	p2 =	seq.s32 s10, $0x1;
	s10 =	sld [smem:$0x3FBA]  }
0x3d: {  	_ =	shalt  }
0x3e: {  	_ =	shalt  }
0x3f: {  	_ =	shalt  }
0x40: {  	_ =	shalt  }
0x41: {  	_ =	shalt  }
0x42: {  	_ =	shalt  }
0x43: {  	_ =	shalt  }
0x44: {  	_ =	shalt  }
0x45: {  	_ =	shalt  }
0x46: {  	_ =	shalt  }
0x47: {  	_ =	shalt  }
0x48: {  	_ =	shalt  }
0x49: {  	_ =	shalt  }
0x4a: {  	_ =	shalt  }
0x4b: {  	_ =	shalt  }
0x4c: {  	_ =	shalt  }
0x4d: {  	_ =	shalt  }
0x4e: {  	_ =	shalt  }
0x4f: {  	_ =	shalt  }
0x50: {  	_ =	shalt  }
0x51: {  	_ =	shalt  }
0x52: {  	_ =	shalt  }
0x53: {  	_ =	shalt  }
0x54: {  	_ =	shalt  }
0x55: {  	_ =	shalt  }
0x56: {  	_ =	shalt  }
0x57: {  	_ =	shalt  }
0x58: {  	_ =	shalt  }
0x59: {  	_ =	shalt  }
0x5a: {  	_ =	shalt  }
0x5b: {  	_ =	shalt  }
0x5c: {  	_ =	shalt  }
0x5d: {  	_ =	shalt  }
0x5e: {  	_ =	shalt  }
0x5f: {  	_ =	shalt  }
0x60: {  	_ =	shalt  }
0x61: {  	_ =	shalt  }
0x62: {  	_ =	shalt  }
0x63: {  	_ =	shalt  }
0x64: {  	_ =	shalt  }
0x65: {  	_ =	shalt  }
0x66: {  	_ =	shalt  }
0x67: {  	_ =	shalt  }
0x68: {  	_ =	shalt  }
0x69: {  	_ =	shalt  }
0x6a: {  	_ =	shalt  }
0x6b: {  	_ =	shalt  }
0x6c: {  	_ =	shalt  }
0x6d: {  	_ =	shalt  }
0x6e: {  	_ =	shalt  }
0x6f: {  	_ =	shalt  }
0x70: {  	_ =	shalt  }
0x71: {  	_ =	shalt  }
0x72: {  	_ =	shalt  }
0x73: {  	_ =	shalt  }
0x74: {  	_ =	shalt  }
0x75: {  	_ =	shalt  }
0x76: {  	_ =	shalt  }
0x77: {  	_ =	shalt  }
0x78: {  	_ =	shalt  }
0x79: {  	_ =	shalt  }
0x7a: {  	_ =	shalt  }
0x7b: {  	_ =	shalt  }
0x7c: {  	_ =	shalt  }
0x7d: {  	_ =	shalt  }
0x7e: {  	_ =	shalt  }
0x7f: {  	_ =	shalt  }
0x80: {  	_ =	shalt  }
0x81: {  	_ =	shalt  }
0x82: {  	_ =	shalt  }
0x83: {  	_ =	shalt  }
0x84: {  	_ =	shalt  }
0x85: {  	_ =	shalt  }
0x86: {  	_ =	shalt  }
0x87: {  	_ =	shalt  }
.Lfunc_end0:
.L_simem_size_0:
called_computation.2_lowered:
.L_overlay_start_0:
0x88: {  	s2 =	sld [smem:$0x3FD9]  }
0x89: {  	s3 =	sld [smem:$0x3FFE];
	_ =	sdelay $0x1  }
0x8a: {  	s1 =	srdreg.scid  }
0x8b: {  	s0 =	sand.u32 $0x1, s1  }
0x8c: {  	s17 =	sshll.u32 s0, $0xA;
	s2 =	sadd.s32 s3, s2  }
0x8d: {  	s2 =	sadd.s32 s2, s17  }
0x8e: {  	[smem:$0x3FC6] =	sst s2  }
0x8f: {  	_ = 	snop  }
0x90: {  	s2 =	sld [smem:$0x3FD0];
	(tm) =	ssettm $0x1  }
0x91: {  	s18 =	sld [smem:$0x3FFB];
	_ =	sdelay $0x3  }
0x92: {  	_ =	strace s18  }
0x93: {  	s3 =	sld [smem:$0x3FFC];
	_ =	sdelay $0x3  }
0x94: {  	_ =	strace s3  }
0x95: {  	s3 =	sld [smem:$0x3FFD];
	_ =	sdelay $0x3  }
0x96: {  	_ =	strace s3  }
0x97: {  	_ =	strace $0x8FFFFFFF  }
0x98: {  	s19 =	sld [smem:$0x3FDB];
	_ =	sdelay $0x1  }
0x99: {  	s4 =	simm.s32 $_scs_section_size  }
0x9a: {  	s5 =	simm.s32 $_size__tile_overlayer_lowered;
	s6 =	simm.s32 $_tile_overlayer_lowered  }
0x9b: {  	s22 =	simm.s32 $0x1BFF;
	s21 =	sshll.u32 s6, $0x1;
	s3 =	sadd.s32 s4, s19  }
0x9c: {  	s7 =	simm.s32 $0x0;
	s20 =	sshll.u32 s5, $0x1;
	s5 =	sadd.s32 s21, s3  }
0x9d: {  	[timem:s7], [sflag:s22] =	dma.local [hbm:s5], s20  }
0x9e: {  	_ =	swait.ge [sflag:s22], s20  }
0x9f: {  	s4 =	ssub.s32 $0x0, s20;
	[sflag:s22] =	ssyncset.done $0x0  }
0xa0: {  	[sflag:s22] =	ssyncadd.s32 s4;
	_ =	sdelay $0x1  }
0xa1: {  	s23 =	simm.s32 $0x1B8B  }
0xa2: {  	_ =	swait.ge [sflag:s23], $0x1  }
0xa3: {  	[sflag:s23] =	ssyncset.done $0x0  }
0xa4: {  	s25 =	simm.s32 $0x1B8E;
	s24 =	sld [smem:$0x3FFE];
	[sflag:s23] =	ssyncadd.s32 $0xFFFFFFFF  }
0xa5: {  	s26 =	simm.s32 $execute0_lowered;
	[smem:$0x3FD2] =	sst s25  }
0xa6: {  	s5 =	sshll.u32 s26, $0x1;
	_ =	strace $0x80000046;
	[dreg:$0x1] =	wrdreg $0xFFFFFFFF  }
0xa7: {  	s28 =	simm.s32 $_size_execute0_lowered;
	s3 =	sadd.s32 s3, s5;
	[dreg:$0x0] =	wrdreg $0x0  }
0xa8: {  	s5 =	sshll.u32 s28, $0x1;
	[dreg:$0x2] =	wrdreg s3  }
0xa9: {  	[dreg:$0x3] =	wrdreg s5  }
0xaa: {  	[dreg:$0x4] =	wrdreg $0xC0  }
0xab: {  	_ =	task [dreg:s7], $0x5FFFF  }
0xac: {  	[dreg:$0x1] =	wrdreg $0xFFFFFFFF  }
0xad: {  	[dreg:$0x0] =	wrdreg $0x60  }
0xae: {  	[dreg:$0x2] =	wrdreg s24  }
0xaf: {  	[dreg:$0x3] =	wrdreg s2  }
0xb0: {  	[dreg:$0x4] =	wrdreg $0x9  }
0xb1: {  	_ =	task.clear_ibuf [dreg:s7], $0x5FFFF;
	_ =	strace $0x90000046  }
0xb2: {  	s29 =	simm.s32 $0x9;
	_ =	strace $0x80000048  }
0xb3: {  	_ =	swait.ge [sflag:s29], $0x1  }
0xb4: {  	[sflag:s29] =	ssyncadd.s32 $0xFFFFFFFF  }
0xb5: {  	_ =	strace $0x90000048  }
0xb6: {  	_ =	sfence  }
0xb7: {  	s30 =	sld [smem:$0x0];
	_ =	sdelay $0x2  }
0xb8: {  	s31 =	sshll.u32 s1, $0xD;
	s1 =	sshrl.u32 s1, $0x2  }
0xb9: {  	s3 =	sand.u32 $0x4000, s31;
	s1 =	sadd.s32 s1, s30  }
0xba: {  	s0 =	sor.u32 s3, s0;
	s1 =	sshll.u32 s1, $0x11  }
0xbb: {  	s0 =	sor.u32 s1, s0  }
0xbc: {  	s0 =	sadd.s32 $0x8F2B, s0  }
0xbd: {  	[sflag:s0] =	ssyncadd.remote.s32 $0x1  }
0xbe: {  	_ =	sfence.sel $0xFFFF  }
0xbf: {  	[dreg:$0x0] =	wrdreg $0xFFFFFFFF;
	(pc) =	sbr.abs _section_cstart, $3  }
0xc0: {  	[dreg:$0x1] =	wrdreg $0xFFFFFFFF  }
0xc1: {  	_ =	task.clear_ibuf [dreg:s7], $0x2FFFF;
	_ =	strace $0x9FFFFFFF  }
0xc2: {  	(tm) =	ssettm $0x7FFFFFFF  }
0xc3: {  	_ =	shalt  }
tec
execute0_lowered:
.L_overlay_start_1:
0x0: {  	(tag) =	ssettag $0x1  }
0x1: {  	s0 =	rddreg [dreg:$0x0];
	s2 =	srdreg.scid  }
0x2: {  	s3 =	stileid.u32;
	s1 =	rddreg [dreg:$0x1];
	p0 =	por $0x0, $0x0  }
0x3: {  	s31 =	simm.s32 $0x6;
	s6 =	sand.u32 $0x1, s2;
	s3 =	sshll.u32 s3, $0x1  }
0x4: {  	s2 =	simm.s32 $0x0;
	s11 =	sadd.s32 $0xE00, s0;
	s7 =	sor.u32 s6, s3  }
0x5: {  	[smem:$0x7FF] =	sst s2;
	s6 =	ssub.s32 $0x2, s6;
	s5 =	smul.u32 $0x6400, s7  }
0x6: {  	s3 =	sadd.s32 $0xF43200, s0;
	s7 =	smul.u32 $0x19000, s7;
	s17 =	sshrl.u32 s6, $0x1  }
0x7: {  	_ =	strace $0x80000047;
	s6 =	ssub.s32 s6, s17;
	s19 =	sshrl.u32 s5, $0x3  }
0x8: {  	s8 =	sadd.s32 $0x640, s5;
	s21 =	sadd.s32 $0xC80, s5;
	s22 =	sadd.s32 s1, s7  }
0x9: {  	s4 =	sadd.s32 $0x12C0, s5;
	s10 =	sadd.s32 $0x1900, s5;
	s16 =	sadd.s32 $0x1F40, s5  }
0xa: {  	s0 =	sadd.s32 s11, s19;
	s9 =	sshrl.u32 s8, $0x3;
	s23 =	sshrl.u32 s21, $0x3  }
0xb: {  	[dreg:$0x5] =	wrdreg s22;
	s25 =	sshll.u32 s8, $0x2;
	s8 =	sshrl.u32 s4, $0x3  }
0xc: {  	s13 =	sshrl.u32 s10, $0x3;
	s7 =	sshll.u32 s4, $0x2;
	s18 =	sshrl.u32 s16, $0x3  }
0xd: {  	[dreg:$0x3] =	wrdreg s0;
	s20 =	sadd.s32 s11, s9;
	s24 =	sadd.s32 s11, s23  }
0xe: {  	s26 =	sadd.s32 s1, s25;
	s0 =	sadd.s32 s11, s8;
	[dreg:$0x4] =	wrdreg s20  }
0xf: {  	s9 =	sshll.u32 s21, $0x2;
	s14 =	sadd.s32 s11, s13;
	[dreg:$0x6] =	wrdreg s24  }
0x10: {  	s15 =	sadd.s32 s1, s7;
	s7 =	sshll.u32 s16, $0x2;
	[dreg:$0x7] =	wrdreg s26  }
0x11: {  	s23 =	sadd.s32 $0x2BC0, s5;
	s13 =	sadd.s32 $0x3840, s5;
	[dreg:$0x8] =	wrdreg s0  }
0x12: {  	s16 =	sadd.s32 $0x3E80, s5;
	s8 =	sadd.s32 $0x5DC0, s5;
	[dreg:$0xa] =	wrdreg s14  }
0x13: {  	s12 =	sadd.s32 s1, s9;
	[dreg:$0xb] =	wrdreg s15;
	s0 =	sadd.s32 s11, s18  }
0x14: {  	s9 =	sshll.u32 s10, $0x2;
	s10 =	sadd.s32 $0x2580, s5;
	s22 =	sadd.s32 s1, s7  }
0x15: {  	s24 =	sshrl.u32 s23, $0x3;
	s26 =	sadd.s32 $0x3200, s5;
	s14 =	sshrl.u32 s13, $0x3  }
0x16: {  	s17 =	sshrl.u32 s16, $0x3;
	s7 =	sshll.u32 s13, $0x2;
	[dreg:$0x9] =	wrdreg s12  }
0x17: {  	s18 =	sadd.s32 $0x44C0, s5;
	[dreg:$0xc] =	wrdreg s0;
	s19 =	sadd.s32 s1, s9  }
0x18: {  	s20 =	sshrl.u32 s10, $0x3;
	[dreg:$0xf] =	wrdreg s22;
	s0 =	sadd.s32 s11, s24  }
0x19: {  	s25 =	sshll.u32 s10, $0x2;
	s10 =	sshrl.u32 s26, $0x3;
	s12 =	sshll.u32 s23, $0x2  }
0x1a: {  	s15 =	sshll.u32 s26, $0x2;
	s29 =	sadd.s32 s11, s14;
	s26 =	sadd.s32 s11, s17  }
0x1b: {  	s23 =	sadd.s32 s1, s7;
	s14 =	sadd.s32 $0x5140, s5;
	[dreg:$0xd] =	wrdreg s19  }
0x1c: {  	s9 =	simm.s32 $0xD480;
	s21 =	sadd.s32 s11, s20;
	[dreg:$0x10] =	wrdreg s0  }
0x1d: {  	s30 =	sadd.s32 s1, s25;
	s4 =	sadd.s32 s11, s10;
	s28 =	sadd.s32 s1, s12  }
0x1e: {  	s25 =	sadd.s32 s1, s15;
	s19 =	sshrl.u32 s18, $0x3;
	s0 =	sshll.u32 s16, $0x2  }
0x1f: {  	s20 =	sadd.s32 $0x4B00, s5;
	s12 =	sshll.u32 s18, $0x2;
	s15 =	sshrl.u32 s14, $0x3  }
0x20: {  	s16 =	sadd.s32 $0x5780, s5;
	[dreg:$0xe] =	wrdreg s21;
	s24 =	sadd.s32 s11, s19  }
0x21: {  	s21 =	sadd.s32 s1, s0;
	s10 =	sshrl.u32 s20, $0x3;
	s13 =	sadd.s32 s1, s12  }
0x22: {  	s7 =	sshll.u32 s20, $0x2;
	s20 =	sadd.s32 s11, s15;
	s19 =	sshrl.u32 s16, $0x3  }
0x23: {  	s0 =	sshll.u32 s14, $0x2;
	s14 =	sshll.u32 s8, $0x2;
	s22 =	sadd.s32 s11, s10  }
0x24: {  	[dreg:$0x12] =	wrdreg s13;
	s13 =	sshll.u32 s16, $0x2;
	s16 =	smax.u32 s6, $0x1  }
0x25: {  	s17 =	sadd.s32 s1, s7;
	s18 =	sadd.s32 s11, s19;
	p1 =	sne.s32 s16, $0x1  }
.Ltmp0:
0x26: {  	s12 =	sadd.s32 s1, s0;
	s10 =	sshrl.u32 s8, $0x3;
	(pc) =	sbr.rel @!p1 .LBB2_3-.Ltmp0, $4  }
0x27: {  	s5 =	sadd.s32 s1, s14;
	s19 =	simm.s32 $0x1;
	s7 =	simm.s32 $0xC80  }
0x28: {  	s14 =	simm.s32 $0x3;
	s8 =	simm.s32 $0x5;
	s0 =	rddreg [dreg:$0x3]  }
0x29: {  	s15 =	sadd.s32 s11, s10;
	s10 =	sadd.s32 s1, s13;
	s11 =	simm.s32 $0x640  }
0x2a: {  	s6 =	sadd.s32 $0xFFFFFFFF, s16;
	s16 =	simm.s32 $0x2;
	s13 =	simm.s32 $0x4  }
0x2b: {  	[tilespmem:s2], [sflag:$0x1] =	stream.linear.gather [hbm4b:s0+s2], $0x640, $0x38;
	[tilespmem:$0x19C80] =	vst v63  }
0x2c: {  	s1 =	rddreg [dreg:$0x4]  }
0x2d: {  	[tilespmem:s11], [sflag:$0x2] =	stream.linear.gather [hbm4b:s1+s2], $0x640, $0x38;
	[tilespmem:$0x19C80] =	vst v63  }
0x2e: {  	_ =	swait.ge [sflag:s19], $0x640  }
0x2f: {  	[sflag:s19] =	ssyncset.done $0x0  }
0x30: {  	[sflag:s19] =	ssyncadd.s32 $0xFFFFF9C0  }
0x31: {  	[tilespmem:s7], [sflag:$0x3] =	stream.indirect.gather [hbm4b:s3+s11], $0x20, s2, s11, $0xb8;
	[tilespmem:$0x19C80] =	vst v63  }
0x32: {  	_ =	swait.ge [sflag:s16], $0x640  }
0x33: {  	[sflag:s16] =	ssyncset.done $0x0  }
0x34: {  	[sflag:s16] =	ssyncadd.s32 $0xFFFFF9C0  }
0x35: {  	[tilespmem:s9], [sflag:$0x4] =	stream.indirect.gather [hbm4b:s3+s11], $0x20, s11, s11, $0xb8;
	[tilespmem:$0x19C80] =	vst v63  }
0x36: {  	_ =	swait.ge [sflag:s14], $0xC800  }
0x37: {  	[sflag:s14] =	ssyncset.done $0x0  }
0x38: {  	s0 =	rddreg [dreg:$0x5];
	[sflag:s14] =	ssyncadd.s32 $0xFFFF3800  }
0x39: {  	[hbm4b:s0+s2] =	stream.linear.scatter [tilespmem:s7], [sflag:$0x5], $0xC800, $0x38;
	[tilespmem:$0x19C80] =	vst v63  }
0x3a: {  	s1 =	rddreg [dreg:$0x6]  }
0x3b: {  	[tilespmem:s2], [sflag:$0x1] =	stream.linear.gather [hbm4b:s1+s2], $0x640, $0x38;
	[tilespmem:$0x19C80] =	vst v63  }
0x3c: {  	_ =	swait.ge [sflag:s8], $0xC800  }
0x3d: {  	[sflag:s8] =	ssyncset.done $0x0  }
0x3e: {  	[sflag:s8] =	ssyncadd.s32 $0xFFFF3800  }
0x3f: {  	_ =	swait.ge [sflag:s19], $0x640  }
0x40: {  	[sflag:s19] =	ssyncset.done $0x0  }
0x41: {  	[sflag:s19] =	ssyncadd.s32 $0xFFFFF9C0  }
0x42: {  	[tilespmem:s7], [sflag:$0x3] =	stream.indirect.gather [hbm4b:s3+s11], $0x20, s2, s11, $0xb8;
	[tilespmem:$0x19C80] =	vst v63  }
0x43: {  	_ =	swait.ge [sflag:s13], $0xC800  }
0x44: {  	[sflag:s13] =	ssyncset.done $0x0  }
0x45: {  	s0 =	rddreg [dreg:$0x7];
	[sflag:s13] =	ssyncadd.s32 $0xFFFF3800  }
0x46: {  	[hbm4b:s0+s2] =	stream.linear.scatter [tilespmem:s9], [sflag:$0x6], $0xC800, $0x38;
	[tilespmem:$0x19C80] =	vst v63  }
0x47: {  	s1 =	rddreg [dreg:$0x8]  }
0x48: {  	[tilespmem:s11], [sflag:$0x2] =	stream.linear.gather [hbm4b:s1+s2], $0x640, $0x38;
	[tilespmem:$0x19C80] =	vst v63  }
0x49: {  	_ =	swait.ge [sflag:s31], $0xC800  }
0x4a: {  	[sflag:s31] =	ssyncset.done $0x0  }
0x4b: {  	[sflag:s31] =	ssyncadd.s32 $0xFFFF3800  }
0x4c: {  	_ =	swait.ge [sflag:s16], $0x640  }
0x4d: {  	[sflag:s16] =	ssyncset.done $0x0  }
0x4e: {  	[sflag:s16] =	ssyncadd.s32 $0xFFFFF9C0  }
0x4f: {  	[tilespmem:s9], [sflag:$0x4] =	stream.indirect.gather [hbm4b:s3+s11], $0x20, s11, s11, $0xb8;
	[tilespmem:$0x19C80] =	vst v63  }
0x50: {  	_ =	swait.ge [sflag:s14], $0xC800  }
0x51: {  	[sflag:s14] =	ssyncset.done $0x0  }
0x52: {  	s0 =	rddreg [dreg:$0x9];
	[sflag:s14] =	ssyncadd.s32 $0xFFFF3800  }
0x53: {  	[hbm4b:s0+s2] =	stream.linear.scatter [tilespmem:s7], [sflag:$0x5], $0xC800, $0x38;
	[tilespmem:$0x19C80] =	vst v63  }
0x54: {  	s1 =	rddreg [dreg:$0xa]  }
0x55: {  	[tilespmem:s2], [sflag:$0x1] =	stream.linear.gather [hbm4b:s1+s2], $0x640, $0x38;
	[tilespmem:$0x19C80] =	vst v63  }
0x56: {  	_ =	swait.ge [sflag:s8], $0xC800  }
0x57: {  	[sflag:s8] =	ssyncset.done $0x0  }
0x58: {  	[sflag:s8] =	ssyncadd.s32 $0xFFFF3800  }
0x59: {  	_ =	swait.ge [sflag:s19], $0x640  }
0x5a: {  	[sflag:s19] =	ssyncset.done $0x0  }
0x5b: {  	[sflag:s19] =	ssyncadd.s32 $0xFFFFF9C0  }
0x5c: {  	[tilespmem:s7], [sflag:$0x3] =	stream.indirect.gather [hbm4b:s3+s11], $0x20, s2, s11, $0xb8;
	[tilespmem:$0x19C80] =	vst v63  }
0x5d: {  	_ =	swait.ge [sflag:s13], $0xC800  }
0x5e: {  	[sflag:s13] =	ssyncset.done $0x0  }
0x5f: {  	s0 =	rddreg [dreg:$0xb];
	[sflag:s13] =	ssyncadd.s32 $0xFFFF3800  }
0x60: {  	[hbm4b:s0+s2] =	stream.linear.scatter [tilespmem:s9], [sflag:$0x6], $0xC800, $0x38;
	[tilespmem:$0x19C80] =	vst v63  }
0x61: {  	s1 =	rddreg [dreg:$0xc]  }
0x62: {  	[tilespmem:s11], [sflag:$0x2] =	stream.linear.gather [hbm4b:s1+s2], $0x640, $0x38;
	[tilespmem:$0x19C80] =	vst v63  }
0x63: {  	_ =	swait.ge [sflag:s31], $0xC800  }
0x64: {  	[sflag:s31] =	ssyncset.done $0x0  }
0x65: {  	[sflag:s31] =	ssyncadd.s32 $0xFFFF3800  }
0x66: {  	_ =	swait.ge [sflag:s16], $0x640  }
0x67: {  	[sflag:s16] =	ssyncset.done $0x0  }
0x68: {  	[sflag:s16] =	ssyncadd.s32 $0xFFFFF9C0  }
0x69: {  	[tilespmem:s9], [sflag:$0x4] =	stream.indirect.gather [hbm4b:s3+s11], $0x20, s11, s11, $0xb8;
	[tilespmem:$0x19C80] =	vst v63  }
0x6a: {  	_ =	swait.ge [sflag:s14], $0xC800  }
0x6b: {  	[sflag:s14] =	ssyncset.done $0x0  }
0x6c: {  	s0 =	rddreg [dreg:$0xd];
	[sflag:s14] =	ssyncadd.s32 $0xFFFF3800  }
0x6d: {  	[hbm4b:s0+s2] =	stream.linear.scatter [tilespmem:s7], [sflag:$0x5], $0xC800, $0x38;
	[tilespmem:$0x19C80] =	vst v63  }
0x6e: {  	s1 =	rddreg [dreg:$0xe]  }
0x6f: {  	[tilespmem:s2], [sflag:$0x1] =	stream.linear.gather [hbm4b:s1+s2], $0x640, $0x38;
	[tilespmem:$0x19C80] =	vst v63  }
0x70: {  	_ =	swait.ge [sflag:s8], $0xC800  }
0x71: {  	[sflag:s8] =	ssyncset.done $0x0  }
0x72: {  	[sflag:s8] =	ssyncadd.s32 $0xFFFF3800  }
0x73: {  	_ =	swait.ge [sflag:s19], $0x640  }
0x74: {  	[sflag:s19] =	ssyncset.done $0x0  }
0x75: {  	[sflag:s19] =	ssyncadd.s32 $0xFFFFF9C0  }
0x76: {  	[tilespmem:s7], [sflag:$0x3] =	stream.indirect.gather [hbm4b:s3+s11], $0x20, s2, s11, $0xb8;
	[tilespmem:$0x19C80] =	vst v63  }
0x77: {  	_ =	swait.ge [sflag:s13], $0xC800  }
0x78: {  	[sflag:s13] =	ssyncset.done $0x0  }
0x79: {  	s0 =	rddreg [dreg:$0xf];
	[sflag:s13] =	ssyncadd.s32 $0xFFFF3800  }
0x7a: {  	[hbm4b:s0+s2] =	stream.linear.scatter [tilespmem:s9], [sflag:$0x6], $0xC800, $0x38;
	[tilespmem:$0x19C80] =	vst v63  }
0x7b: {  	s1 =	rddreg [dreg:$0x10]  }
0x7c: {  	[tilespmem:s11], [sflag:$0x2] =	stream.linear.gather [hbm4b:s1+s2], $0x640, $0x38;
	[tilespmem:$0x19C80] =	vst v63  }
0x7d: {  	_ =	swait.ge [sflag:s31], $0xC800  }
0x7e: {  	[sflag:s31] =	ssyncset.done $0x0  }
0x7f: {  	[sflag:s31] =	ssyncadd.s32 $0xFFFF3800  }
0x80: {  	_ =	swait.ge [sflag:s16], $0x640  }
0x81: {  	[sflag:s16] =	ssyncset.done $0x0  }
0x82: {  	[sflag:s16] =	ssyncadd.s32 $0xFFFFF9C0  }
0x83: {  	[tilespmem:s9], [sflag:$0x4] =	stream.indirect.gather [hbm4b:s3+s11], $0x20, s11, s11, $0xb8;
	[tilespmem:$0x19C80] =	vst v63  }
0x84: {  	_ =	swait.ge [sflag:s14], $0xC800  }
0x85: {  	[sflag:s14] =	ssyncset.done $0x0  }
0x86: {  	[sflag:s14] =	ssyncadd.s32 $0xFFFF3800  }
0x87: {  	[hbm4b:s30+s2] =	stream.linear.scatter [tilespmem:s7], [sflag:$0x5], $0xC800, $0x38;
	[tilespmem:$0x19C80] =	vst v63  }
0x88: {  	_ = 	snop  }
0x89: {  	[tilespmem:s2], [sflag:$0x1] =	stream.linear.gather [hbm4b:s4+s2], $0x640, $0x38;
	[tilespmem:$0x19C80] =	vst v63  }
0x8a: {  	_ =	swait.ge [sflag:s8], $0xC800  }
0x8b: {  	[sflag:s8] =	ssyncset.done $0x0  }
0x8c: {  	[sflag:s8] =	ssyncadd.s32 $0xFFFF3800  }
0x8d: {  	_ =	swait.ge [sflag:s19], $0x640  }
0x8e: {  	[sflag:s19] =	ssyncset.done $0x0  }
0x8f: {  	[sflag:s19] =	ssyncadd.s32 $0xFFFFF9C0  }
0x90: {  	[tilespmem:s7], [sflag:$0x3] =	stream.indirect.gather [hbm4b:s3+s11], $0x20, s2, s11, $0xb8;
	[tilespmem:$0x19C80] =	vst v63  }
0x91: {  	_ =	swait.ge [sflag:s13], $0xC800  }
0x92: {  	[sflag:s13] =	ssyncset.done $0x0  }
0x93: {  	[sflag:s13] =	ssyncadd.s32 $0xFFFF3800  }
0x94: {  	[hbm4b:s28+s2] =	stream.linear.scatter [tilespmem:s9], [sflag:$0x6], $0xC800, $0x38;
	[tilespmem:$0x19C80] =	vst v63  }
0x95: {  	_ = 	snop  }
0x96: {  	[tilespmem:s11], [sflag:$0x2] =	stream.linear.gather [hbm4b:s29+s2], $0x640, $0x38;
	[tilespmem:$0x19C80] =	vst v63  }
0x97: {  	_ =	swait.ge [sflag:s31], $0xC800  }
0x98: {  	[sflag:s31] =	ssyncset.done $0x0  }
0x99: {  	[sflag:s31] =	ssyncadd.s32 $0xFFFF3800  }
0x9a: {  	_ =	swait.ge [sflag:s16], $0x640  }
0x9b: {  	[sflag:s16] =	ssyncset.done $0x0  }
0x9c: {  	[sflag:s16] =	ssyncadd.s32 $0xFFFFF9C0  }
0x9d: {  	[tilespmem:s9], [sflag:$0x4] =	stream.indirect.gather [hbm4b:s3+s11], $0x20, s11, s11, $0xb8;
	[tilespmem:$0x19C80] =	vst v63  }
0x9e: {  	_ =	swait.ge [sflag:s14], $0xC800  }
0x9f: {  	[sflag:s14] =	ssyncset.done $0x0  }
0xa0: {  	[sflag:s14] =	ssyncadd.s32 $0xFFFF3800  }
0xa1: {  	[hbm4b:s25+s2] =	stream.linear.scatter [tilespmem:s7], [sflag:$0x5], $0xC800, $0x38;
	[tilespmem:$0x19C80] =	vst v63  }
0xa2: {  	_ = 	snop  }
0xa3: {  	[tilespmem:s2], [sflag:$0x1] =	stream.linear.gather [hbm4b:s26+s2], $0x640, $0x38;
	[tilespmem:$0x19C80] =	vst v63  }
0xa4: {  	_ =	swait.ge [sflag:s8], $0xC800  }
0xa5: {  	[sflag:s8] =	ssyncset.done $0x0  }
0xa6: {  	[sflag:s8] =	ssyncadd.s32 $0xFFFF3800  }
0xa7: {  	_ =	swait.ge [sflag:s19], $0x640  }
0xa8: {  	[sflag:s19] =	ssyncset.done $0x0  }
0xa9: {  	[sflag:s19] =	ssyncadd.s32 $0xFFFFF9C0  }
0xaa: {  	[tilespmem:s7], [sflag:$0x3] =	stream.indirect.gather [hbm4b:s3+s11], $0x20, s2, s11, $0xb8;
	[tilespmem:$0x19C80] =	vst v63  }
0xab: {  	_ =	swait.ge [sflag:s13], $0xC800  }
0xac: {  	[sflag:s13] =	ssyncset.done $0x0  }
0xad: {  	[sflag:s13] =	ssyncadd.s32 $0xFFFF3800  }
0xae: {  	[hbm4b:s23+s2] =	stream.linear.scatter [tilespmem:s9], [sflag:$0x6], $0xC800, $0x38;
	[tilespmem:$0x19C80] =	vst v63  }
0xaf: {  	_ = 	snop  }
0xb0: {  	[tilespmem:s11], [sflag:$0x2] =	stream.linear.gather [hbm4b:s24+s2], $0x640, $0x38;
	[tilespmem:$0x19C80] =	vst v63  }
0xb1: {  	_ =	swait.ge [sflag:s31], $0xC800  }
0xb2: {  	[sflag:s31] =	ssyncset.done $0x0  }
0xb3: {  	[sflag:s31] =	ssyncadd.s32 $0xFFFF3800  }
0xb4: {  	_ =	swait.ge [sflag:s16], $0x640  }
0xb5: {  	[sflag:s16] =	ssyncset.done $0x0  }
0xb6: {  	[sflag:s16] =	ssyncadd.s32 $0xFFFFF9C0  }
0xb7: {  	[tilespmem:s9], [sflag:$0x4] =	stream.indirect.gather [hbm4b:s3+s11], $0x20, s11, s11, $0xb8;
	[tilespmem:$0x19C80] =	vst v63  }
0xb8: {  	_ =	swait.ge [sflag:s14], $0xC800  }
0xb9: {  	[sflag:s14] =	ssyncset.done $0x0  }
0xba: {  	[sflag:s14] =	ssyncadd.s32 $0xFFFF3800  }
0xbb: {  	[hbm4b:s21+s2] =	stream.linear.scatter [tilespmem:s7], [sflag:$0x5], $0xC800, $0x38;
	[tilespmem:$0x19C80] =	vst v63  }
0xbc: {  	_ = 	snop  }
0xbd: {  	[tilespmem:s2], [sflag:$0x1] =	stream.linear.gather [hbm4b:s22+s2], $0x640, $0x38;
	[tilespmem:$0x19C80] =	vst v63  }
0xbe: {  	_ =	swait.ge [sflag:s8], $0xC800  }
0xbf: {  	[sflag:s8] =	ssyncset.done $0x0  }
0xc0: {  	[sflag:s8] =	ssyncadd.s32 $0xFFFF3800  }
0xc1: {  	_ =	swait.ge [sflag:s19], $0x640  }
0xc2: {  	[sflag:s19] =	ssyncset.done $0x0  }
0xc3: {  	[sflag:s19] =	ssyncadd.s32 $0xFFFFF9C0  }
0xc4: {  	[tilespmem:s7], [sflag:$0x3] =	stream.indirect.gather [hbm4b:s3+s11], $0x20, s2, s11, $0xb8;
	[tilespmem:$0x19C80] =	vst v63  }
0xc5: {  	_ =	swait.ge [sflag:s13], $0xC800  }
0xc6: {  	[sflag:s13] =	ssyncset.done $0x0  }
0xc7: {  	s1 =	rddreg [dreg:$0x12];
	[sflag:s13] =	ssyncadd.s32 $0xFFFF3800  }
0xc8: {  	[hbm4b:s1+s2] =	stream.linear.scatter [tilespmem:s9], [sflag:$0x6], $0xC800, $0x38;
	[tilespmem:$0x19C80] =	vst v63  }
0xc9: {  	_ = 	snop  }
0xca: {  	[tilespmem:s11], [sflag:$0x2] =	stream.linear.gather [hbm4b:s20+s2], $0x640, $0x38;
	[tilespmem:$0x19C80] =	vst v63  }
0xcb: {  	_ =	swait.ge [sflag:s31], $0xC800  }
0xcc: {  	[sflag:s31] =	ssyncset.done $0x0  }
0xcd: {  	[sflag:s31] =	ssyncadd.s32 $0xFFFF3800  }
0xce: {  	_ =	swait.ge [sflag:s16], $0x640  }
0xcf: {  	[sflag:s16] =	ssyncset.done $0x0  }
0xd0: {  	[sflag:s16] =	ssyncadd.s32 $0xFFFFF9C0  }
0xd1: {  	[tilespmem:s9], [sflag:$0x4] =	stream.indirect.gather [hbm4b:s3+s11], $0x20, s11, s11, $0xb8;
	[tilespmem:$0x19C80] =	vst v63  }
0xd2: {  	_ =	swait.ge [sflag:s14], $0xC800  }
0xd3: {  	[sflag:s14] =	ssyncset.done $0x0  }
0xd4: {  	[sflag:s14] =	ssyncadd.s32 $0xFFFF3800  }
0xd5: {  	[hbm4b:s17+s2] =	stream.linear.scatter [tilespmem:s7], [sflag:$0x5], $0xC800, $0x38;
	[tilespmem:$0x19C80] =	vst v63  }
0xd6: {  	_ = 	snop  }
0xd7: {  	[tilespmem:s2], [sflag:$0x1] =	stream.linear.gather [hbm4b:s18+s2], $0x640, $0x38;
	[tilespmem:$0x19C80] =	vst v63  }
0xd8: {  	_ =	swait.ge [sflag:s8], $0xC800  }
0xd9: {  	[sflag:s8] =	ssyncset.done $0x0  }
0xda: {  	[sflag:s8] =	ssyncadd.s32 $0xFFFF3800  }
0xdb: {  	_ =	swait.ge [sflag:s19], $0x640  }
0xdc: {  	[sflag:s19] =	ssyncset.done $0x0  }
0xdd: {  	[sflag:s19] =	ssyncadd.s32 $0xFFFFF9C0  }
0xde: {  	[tilespmem:s7], [sflag:$0x3] =	stream.indirect.gather [hbm4b:s3+s11], $0x20, s2, s11, $0xb8;
	[tilespmem:$0x19C80] =	vst v63  }
0xdf: {  	_ =	swait.ge [sflag:s13], $0xC800  }
0xe0: {  	[sflag:s13] =	ssyncset.done $0x0  }
0xe1: {  	[sflag:s13] =	ssyncadd.s32 $0xFFFF3800  }
0xe2: {  	[hbm4b:s12+s2] =	stream.linear.scatter [tilespmem:s9], [sflag:$0x6], $0xC800, $0x38;
	[tilespmem:$0x19C80] =	vst v63  }
0xe3: {  	_ = 	snop  }
0xe4: {  	[tilespmem:s11], [sflag:$0x2] =	stream.linear.gather [hbm4b:s15+s2], $0x640, $0x38;
	[tilespmem:$0x19C80] =	vst v63  }
0xe5: {  	_ =	swait.ge [sflag:s31], $0xC800  }
0xe6: {  	[sflag:s31] =	ssyncset.done $0x0  }
0xe7: {  	[sflag:s31] =	ssyncadd.s32 $0xFFFF3800  }
0xe8: {  	_ =	swait.ge [sflag:s16], $0x640  }
0xe9: {  	[sflag:s16] =	ssyncset.done $0x0  }
0xea: {  	[sflag:s16] =	ssyncadd.s32 $0xFFFFF9C0  }
0xeb: {  	[tilespmem:s9], [sflag:$0x4] =	stream.indirect.gather [hbm4b:s3+s11], $0x20, s11, s11, $0xb8;
	[tilespmem:$0x19C80] =	vst v63  }
0xec: {  	_ =	swait.ge [sflag:s14], $0xC800  }
0xed: {  	[sflag:s14] =	ssyncset.done $0x0  }
0xee: {  	[sflag:s14] =	ssyncadd.s32 $0xFFFF3800  }
0xef: {  	[hbm4b:s10+s2] =	stream.linear.scatter [tilespmem:s7], [sflag:$0x5], $0xC800, $0x38;
	[tilespmem:$0x19C80] =	vst v63  }
0xf0: {  	_ =	swait.ge [sflag:s13], $0xC800  }
0xf1: {  	[sflag:s13] =	ssyncset.done $0x0  }
0xf2: {  	p1 =	sne.s32 s6, $0x1;
	[sflag:s13] =	ssyncadd.s32 $0xFFFF3800  }
0xf3: {  	[hbm4b:s5+s2] =	stream.linear.scatter [tilespmem:s9], [sflag:$0x6], $0xC800, $0x38;
	[tilespmem:$0x19C80] =	vst v63  }
.Ltmp1:
0xf4: {  	_ =	swait.ge [sflag:s8], $0xC800;
	(pc) =	sbr.rel @!p1 .LBB2_3-.Ltmp1, $4  }
0xf5: {  	[sflag:s8] =	ssyncset.done $0x0  }
0xf6: {  	[sflag:s8] =	ssyncadd.s32 $0xFFFF3800  }
0xf7: {  	p0 =	por $0x1, $0x1;
	_ =	swait.ge [sflag:s31], $0xC800;
	[dreg:$0x11] =	wrdreg s4  }
0xf8: {  	s1 =	sadd.s32 $0xFFFFFFFF, s6;
	s0 =	rddreg [dreg:$0x3];
	[sflag:s31] =	ssyncset.done $0x0  }
.LBB2_2:
0xf9: {  	[sflag:s31] =	ssyncadd.s32 $0xFFFF3800  }
0xfa: {  	[tilespmem:s2], [sflag:$0x1] =	stream.linear.gather [hbm4b:s0+s2], $0x640, $0x38;
	[tilespmem:$0x19C80] =	vst v63  }
0xfb: {  	s4 =	rddreg [dreg:$0x4]  }
0xfc: {  	[tilespmem:s11], [sflag:$0x2] =	stream.linear.gather [hbm4b:s4+s2], $0x640, $0x38;
	[tilespmem:$0x19C80] =	vst v63  }
0xfd: {  	_ =	swait.ge [sflag:s19], $0x640  }
0xfe: {  	[sflag:s19] =	ssyncset.done $0x0  }
0xff: {  	s9 =	simm.s32 $0xC80;
	[sflag:s19] =	ssyncadd.s32 $0xFFFFF9C0  }
0x100: {  	[tilespmem:s9], [sflag:$0x3] =	stream.indirect.gather [hbm4b:s3+s11], $0x20, s2, s11, $0xb8;
	[tilespmem:$0x19C80] =	vst v63  }
0x101: {  	_ =	swait.ge [sflag:s16], $0x640  }
0x102: {  	[sflag:s16] =	ssyncset.done $0x0  }
0x103: {  	s6 =	simm.s32 $0xD480;
	s7 =	smov.u32 s30;
	[sflag:s16] =	ssyncadd.s32 $0xFFFFF9C0  }
0x104: {  	[tilespmem:s6], [sflag:$0x4] =	stream.indirect.gather [hbm4b:s3+s11], $0x20, s11, s11, $0xb8;
	[tilespmem:$0x19C80] =	vst v63  }
0x105: {  	s30 =	smov.u32 s29;
	s29 =	smov.u32 s28;
	_ =	swait.ge [sflag:s14], $0xC800  }
0x106: {  	s28 =	smov.u32 s26;
	s26 =	smov.u32 s25;
	[sflag:s14] =	ssyncset.done $0x0  }
0x107: {  	s25 =	smov.u32 s24;
	s4 =	rddreg [dreg:$0x5];
	[sflag:s14] =	ssyncadd.s32 $0xFFFF3800  }
0x108: {  	[hbm4b:s4+s2] =	stream.linear.scatter [tilespmem:s9], [sflag:$0x5], $0xC800, $0x38;
	[tilespmem:$0x19C80] =	vst v63  }
0x109: {  	s24 =	smov.u32 s23;
	s23 =	smov.u32 s22;
	s22 =	rddreg [dreg:$0x6]  }
0x10a: {  	[tilespmem:s2], [sflag:$0x1] =	stream.linear.gather [hbm4b:s22+s2], $0x640, $0x38;
	[tilespmem:$0x19C80] =	vst v63  }
0x10b: {  	_ =	swait.ge [sflag:s8], $0xC800  }
0x10c: {  	[sflag:s8] =	ssyncset.done $0x0  }
0x10d: {  	[sflag:s8] =	ssyncadd.s32 $0xFFFF3800  }
0x10e: {  	_ =	swait.ge [sflag:s19], $0x640  }
0x10f: {  	[sflag:s19] =	ssyncset.done $0x0  }
0x110: {  	[sflag:s19] =	ssyncadd.s32 $0xFFFFF9C0  }
0x111: {  	[tilespmem:s9], [sflag:$0x3] =	stream.indirect.gather [hbm4b:s3+s11], $0x20, s2, s11, $0xb8;
	[tilespmem:$0x19C80] =	vst v63  }
0x112: {  	_ =	swait.ge [sflag:s13], $0xC800  }
0x113: {  	[sflag:s13] =	ssyncset.done $0x0  }
0x114: {  	s4 =	rddreg [dreg:$0x7];
	[sflag:s13] =	ssyncadd.s32 $0xFFFF3800  }
0x115: {  	[hbm4b:s4+s2] =	stream.linear.scatter [tilespmem:s6], [sflag:$0x6], $0xC800, $0x38;
	[tilespmem:$0x19C80] =	vst v63  }
0x116: {  	s22 =	rddreg [dreg:$0x8]  }
0x117: {  	[tilespmem:s11], [sflag:$0x2] =	stream.linear.gather [hbm4b:s22+s2], $0x640, $0x38;
	[tilespmem:$0x19C80] =	vst v63  }
0x118: {  	_ =	swait.ge [sflag:s31], $0xC800  }
0x119: {  	[sflag:s31] =	ssyncset.done $0x0  }
0x11a: {  	[sflag:s31] =	ssyncadd.s32 $0xFFFF3800  }
0x11b: {  	_ =	swait.ge [sflag:s16], $0x640  }
0x11c: {  	[sflag:s16] =	ssyncset.done $0x0  }
0x11d: {  	[sflag:s16] =	ssyncadd.s32 $0xFFFFF9C0  }
0x11e: {  	[tilespmem:s6], [sflag:$0x4] =	stream.indirect.gather [hbm4b:s3+s11], $0x20, s11, s11, $0xb8;
	[tilespmem:$0x19C80] =	vst v63  }
0x11f: {  	_ =	swait.ge [sflag:s14], $0xC800  }
0x120: {  	[sflag:s14] =	ssyncset.done $0x0  }
0x121: {  	s4 =	rddreg [dreg:$0x9];
	[sflag:s14] =	ssyncadd.s32 $0xFFFF3800  }
0x122: {  	[hbm4b:s4+s2] =	stream.linear.scatter [tilespmem:s9], [sflag:$0x5], $0xC800, $0x38;
	[tilespmem:$0x19C80] =	vst v63  }
0x123: {  	s22 =	rddreg [dreg:$0xa]  }
0x124: {  	[tilespmem:s2], [sflag:$0x1] =	stream.linear.gather [hbm4b:s22+s2], $0x640, $0x38;
	[tilespmem:$0x19C80] =	vst v63  }
0x125: {  	_ =	swait.ge [sflag:s8], $0xC800  }
0x126: {  	[sflag:s8] =	ssyncset.done $0x0  }
0x127: {  	[sflag:s8] =	ssyncadd.s32 $0xFFFF3800  }
0x128: {  	_ =	swait.ge [sflag:s19], $0x640  }
0x129: {  	[sflag:s19] =	ssyncset.done $0x0  }
0x12a: {  	[sflag:s19] =	ssyncadd.s32 $0xFFFFF9C0  }
0x12b: {  	[tilespmem:s9], [sflag:$0x3] =	stream.indirect.gather [hbm4b:s3+s11], $0x20, s2, s11, $0xb8;
	[tilespmem:$0x19C80] =	vst v63  }
0x12c: {  	_ =	swait.ge [sflag:s13], $0xC800  }
0x12d: {  	[sflag:s13] =	ssyncset.done $0x0  }
0x12e: {  	s4 =	rddreg [dreg:$0xb];
	[sflag:s13] =	ssyncadd.s32 $0xFFFF3800  }
0x12f: {  	[hbm4b:s4+s2] =	stream.linear.scatter [tilespmem:s6], [sflag:$0x6], $0xC800, $0x38;
	[tilespmem:$0x19C80] =	vst v63  }
0x130: {  	s22 =	rddreg [dreg:$0xc]  }
0x131: {  	[tilespmem:s11], [sflag:$0x2] =	stream.linear.gather [hbm4b:s22+s2], $0x640, $0x38;
	[tilespmem:$0x19C80] =	vst v63  }
0x132: {  	_ =	swait.ge [sflag:s31], $0xC800  }
0x133: {  	[sflag:s31] =	ssyncset.done $0x0  }
0x134: {  	[sflag:s31] =	ssyncadd.s32 $0xFFFF3800  }
0x135: {  	_ =	swait.ge [sflag:s16], $0x640  }
0x136: {  	[sflag:s16] =	ssyncset.done $0x0  }
0x137: {  	[sflag:s16] =	ssyncadd.s32 $0xFFFFF9C0  }
0x138: {  	[tilespmem:s6], [sflag:$0x4] =	stream.indirect.gather [hbm4b:s3+s11], $0x20, s11, s11, $0xb8;
	[tilespmem:$0x19C80] =	vst v63  }
0x139: {  	_ =	swait.ge [sflag:s14], $0xC800  }
0x13a: {  	[sflag:s14] =	ssyncset.done $0x0  }
0x13b: {  	s6 =	rddreg [dreg:$0xd];
	[sflag:s14] =	ssyncadd.s32 $0xFFFF3800  }
0x13c: {  	[hbm4b:s6+s2] =	stream.linear.scatter [tilespmem:s9], [sflag:$0x5], $0xC800, $0x38;
	[tilespmem:$0x19C80] =	vst v63  }
0x13d: {  	s22 =	rddreg [dreg:$0xe]  }
0x13e: {  	[tilespmem:s2], [sflag:$0x1] =	stream.linear.gather [hbm4b:s22+s2], $0x640, $0x38;
	[tilespmem:$0x19C80] =	vst v63  }
0x13f: {  	_ =	swait.ge [sflag:s8], $0xC800  }
0x140: {  	[sflag:s8] =	ssyncset.done $0x0  }
0x141: {  	[sflag:s8] =	ssyncadd.s32 $0xFFFF3800  }
0x142: {  	_ =	swait.ge [sflag:s19], $0x640  }
0x143: {  	[sflag:s19] =	ssyncset.done $0x0  }
0x144: {  	[sflag:s19] =	ssyncadd.s32 $0xFFFFF9C0  }
0x145: {  	[tilespmem:s9], [sflag:$0x3] =	stream.indirect.gather [hbm4b:s3+s11], $0x20, s2, s11, $0xb8;
	[tilespmem:$0x19C80] =	vst v63  }
0x146: {  	_ =	swait.ge [sflag:s13], $0xC800  }
0x147: {  	s4 =	rddreg [dreg:$0xf];
	[sflag:s13] =	ssyncset.done $0x0  }
0x148: {  	s9 =	simm.s32 $0xD480;
	s6 =	rddreg [dreg:$0x10];
	[sflag:s13] =	ssyncadd.s32 $0xFFFF3800  }
0x149: {  	[hbm4b:s4+s2] =	stream.linear.scatter [tilespmem:s9], [sflag:$0x6], $0xC800, $0x38;
	[tilespmem:$0x19C80] =	vst v63  }
0x14a: {  	s0 =	smov.u32 s5;
	s5 =	smov.u32 s10;
	s10 =	rddreg [dreg:$0x12]  }
0x14b: {  	[tilespmem:s11], [sflag:$0x2] =	stream.linear.gather [hbm4b:s6+s2], $0x640, $0x38;
	[tilespmem:$0x19C80] =	vst v63  }
0x14c: {  	s4 =	rddreg [dreg:$0x11];
	_ =	swait.ge [sflag:s31], $0xC800  }
0x14d: {  	[sflag:s31] =	ssyncset.done $0x0  }
0x14e: {  	[sflag:s31] =	ssyncadd.s32 $0xFFFF3800  }
0x14f: {  	_ =	swait.ge [sflag:s16], $0x640  }
0x150: {  	s22 =	smov.u32 s23;
	[sflag:s16] =	ssyncset.done $0x0  }
0x151: {  	s23 =	smov.u32 s24;
	s24 =	smov.u32 s25;
	[sflag:s16] =	ssyncadd.s32 $0xFFFFF9C0  }
0x152: {  	[tilespmem:s9], [sflag:$0x4] =	stream.indirect.gather [hbm4b:s3+s11], $0x20, s11, s11, $0xb8;
	[tilespmem:$0x19C80] =	vst v63  }
0x153: {  	s25 =	smov.u32 s26;
	s26 =	smov.u32 s28;
	_ =	swait.ge [sflag:s14], $0xC800  }
0x154: {  	s28 =	smov.u32 s29;
	s29 =	smov.u32 s30;
	[sflag:s14] =	ssyncset.done $0x0  }
0x155: {  	s30 =	smov.u32 s7;
	s7 =	simm.s32 $0xC80;
	[sflag:s14] =	ssyncadd.s32 $0xFFFF3800  }
0x156: {  	[hbm4b:s30+s2] =	stream.linear.scatter [tilespmem:s7], [sflag:$0x5], $0xC800, $0x38;
	[tilespmem:$0x19C80] =	vst v63  }
0x157: {  	_ = 	snop  }
0x158: {  	[tilespmem:s2], [sflag:$0x1] =	stream.linear.gather [hbm4b:s4+s2], $0x640, $0x38;
	[tilespmem:$0x19C80] =	vst v63  }
0x159: {  	_ =	swait.ge [sflag:s8], $0xC800  }
0x15a: {  	[sflag:s8] =	ssyncset.done $0x0  }
0x15b: {  	[sflag:s8] =	ssyncadd.s32 $0xFFFF3800  }
0x15c: {  	_ =	swait.ge [sflag:s19], $0x640  }
0x15d: {  	[sflag:s19] =	ssyncset.done $0x0  }
0x15e: {  	[sflag:s19] =	ssyncadd.s32 $0xFFFFF9C0  }
0x15f: {  	[tilespmem:s7], [sflag:$0x3] =	stream.indirect.gather [hbm4b:s3+s11], $0x20, s2, s11, $0xb8;
	[tilespmem:$0x19C80] =	vst v63  }
0x160: {  	_ =	swait.ge [sflag:s13], $0xC800  }
0x161: {  	[sflag:s13] =	ssyncset.done $0x0  }
0x162: {  	[sflag:s13] =	ssyncadd.s32 $0xFFFF3800  }
0x163: {  	[hbm4b:s28+s2] =	stream.linear.scatter [tilespmem:s9], [sflag:$0x6], $0xC800, $0x38;
	[tilespmem:$0x19C80] =	vst v63  }
0x164: {  	_ = 	snop  }
0x165: {  	[tilespmem:s11], [sflag:$0x2] =	stream.linear.gather [hbm4b:s29+s2], $0x640, $0x38;
	[tilespmem:$0x19C80] =	vst v63  }
0x166: {  	_ =	swait.ge [sflag:s31], $0xC800  }
0x167: {  	[sflag:s31] =	ssyncset.done $0x0  }
0x168: {  	[sflag:s31] =	ssyncadd.s32 $0xFFFF3800  }
0x169: {  	_ =	swait.ge [sflag:s16], $0x640  }
0x16a: {  	[sflag:s16] =	ssyncset.done $0x0  }
0x16b: {  	[sflag:s16] =	ssyncadd.s32 $0xFFFFF9C0  }
0x16c: {  	[tilespmem:s9], [sflag:$0x4] =	stream.indirect.gather [hbm4b:s3+s11], $0x20, s11, s11, $0xb8;
	[tilespmem:$0x19C80] =	vst v63  }
0x16d: {  	_ =	swait.ge [sflag:s14], $0xC800  }
0x16e: {  	[sflag:s14] =	ssyncset.done $0x0  }
0x16f: {  	[sflag:s14] =	ssyncadd.s32 $0xFFFF3800  }
0x170: {  	[hbm4b:s25+s2] =	stream.linear.scatter [tilespmem:s7], [sflag:$0x5], $0xC800, $0x38;
	[tilespmem:$0x19C80] =	vst v63  }
0x171: {  	_ = 	snop  }
0x172: {  	[tilespmem:s2], [sflag:$0x1] =	stream.linear.gather [hbm4b:s26+s2], $0x640, $0x38;
	[tilespmem:$0x19C80] =	vst v63  }
0x173: {  	_ =	swait.ge [sflag:s8], $0xC800  }
0x174: {  	[sflag:s8] =	ssyncset.done $0x0  }
0x175: {  	[sflag:s8] =	ssyncadd.s32 $0xFFFF3800  }
0x176: {  	_ =	swait.ge [sflag:s19], $0x640  }
0x177: {  	[sflag:s19] =	ssyncset.done $0x0  }
0x178: {  	[sflag:s19] =	ssyncadd.s32 $0xFFFFF9C0  }
0x179: {  	[tilespmem:s7], [sflag:$0x3] =	stream.indirect.gather [hbm4b:s3+s11], $0x20, s2, s11, $0xb8;
	[tilespmem:$0x19C80] =	vst v63  }
0x17a: {  	_ =	swait.ge [sflag:s13], $0xC800  }
0x17b: {  	[sflag:s13] =	ssyncset.done $0x0  }
0x17c: {  	[sflag:s13] =	ssyncadd.s32 $0xFFFF3800  }
0x17d: {  	[hbm4b:s23+s2] =	stream.linear.scatter [tilespmem:s9], [sflag:$0x6], $0xC800, $0x38;
	[tilespmem:$0x19C80] =	vst v63  }
0x17e: {  	_ = 	snop  }
0x17f: {  	[tilespmem:s11], [sflag:$0x2] =	stream.linear.gather [hbm4b:s24+s2], $0x640, $0x38;
	[tilespmem:$0x19C80] =	vst v63  }
0x180: {  	_ =	swait.ge [sflag:s31], $0xC800  }
0x181: {  	[sflag:s31] =	ssyncset.done $0x0  }
0x182: {  	[sflag:s31] =	ssyncadd.s32 $0xFFFF3800  }
0x183: {  	_ =	swait.ge [sflag:s16], $0x640  }
0x184: {  	[sflag:s16] =	ssyncset.done $0x0  }
0x185: {  	[sflag:s16] =	ssyncadd.s32 $0xFFFFF9C0  }
0x186: {  	[tilespmem:s9], [sflag:$0x4] =	stream.indirect.gather [hbm4b:s3+s11], $0x20, s11, s11, $0xb8;
	[tilespmem:$0x19C80] =	vst v63  }
0x187: {  	_ =	swait.ge [sflag:s14], $0xC800  }
0x188: {  	[sflag:s14] =	ssyncset.done $0x0  }
0x189: {  	[sflag:s14] =	ssyncadd.s32 $0xFFFF3800  }
0x18a: {  	[hbm4b:s21+s2] =	stream.linear.scatter [tilespmem:s7], [sflag:$0x5], $0xC800, $0x38;
	[tilespmem:$0x19C80] =	vst v63  }
0x18b: {  	_ = 	snop  }
0x18c: {  	[tilespmem:s2], [sflag:$0x1] =	stream.linear.gather [hbm4b:s22+s2], $0x640, $0x38;
	[tilespmem:$0x19C80] =	vst v63  }
0x18d: {  	_ =	swait.ge [sflag:s8], $0xC800  }
0x18e: {  	[sflag:s8] =	ssyncset.done $0x0  }
0x18f: {  	[sflag:s8] =	ssyncadd.s32 $0xFFFF3800  }
0x190: {  	_ =	swait.ge [sflag:s19], $0x640  }
0x191: {  	[sflag:s19] =	ssyncset.done $0x0  }
0x192: {  	[sflag:s19] =	ssyncadd.s32 $0xFFFFF9C0  }
0x193: {  	[tilespmem:s7], [sflag:$0x3] =	stream.indirect.gather [hbm4b:s3+s11], $0x20, s2, s11, $0xb8;
	[tilespmem:$0x19C80] =	vst v63  }
0x194: {  	_ =	swait.ge [sflag:s13], $0xC800  }
0x195: {  	[sflag:s13] =	ssyncset.done $0x0  }
0x196: {  	[sflag:s13] =	ssyncadd.s32 $0xFFFF3800  }
0x197: {  	[hbm4b:s10+s2] =	stream.linear.scatter [tilespmem:s9], [sflag:$0x6], $0xC800, $0x38;
	[tilespmem:$0x19C80] =	vst v63  }
0x198: {  	_ = 	snop  }
0x199: {  	[tilespmem:s11], [sflag:$0x2] =	stream.linear.gather [hbm4b:s20+s2], $0x640, $0x38;
	[tilespmem:$0x19C80] =	vst v63  }
0x19a: {  	_ =	swait.ge [sflag:s31], $0xC800  }
0x19b: {  	[sflag:s31] =	ssyncset.done $0x0  }
0x19c: {  	[sflag:s31] =	ssyncadd.s32 $0xFFFF3800  }
0x19d: {  	_ =	swait.ge [sflag:s16], $0x640  }
0x19e: {  	[sflag:s16] =	ssyncset.done $0x0  }
0x19f: {  	[sflag:s16] =	ssyncadd.s32 $0xFFFFF9C0  }
0x1a0: {  	[tilespmem:s9], [sflag:$0x4] =	stream.indirect.gather [hbm4b:s3+s11], $0x20, s11, s11, $0xb8;
	[tilespmem:$0x19C80] =	vst v63  }
0x1a1: {  	_ =	swait.ge [sflag:s14], $0xC800  }
0x1a2: {  	[sflag:s14] =	ssyncset.done $0x0  }
0x1a3: {  	s6 =	smov.u32 s12;
	s12 =	smov.u32 s17;
	[sflag:s14] =	ssyncadd.s32 $0xFFFF3800  }
0x1a4: {  	[hbm4b:s12+s2] =	stream.linear.scatter [tilespmem:s7], [sflag:$0x5], $0xC800, $0x38;
	[tilespmem:$0x19C80] =	vst v63  }
0x1a5: {  	_ = 	snop  }
0x1a6: {  	[tilespmem:s2], [sflag:$0x1] =	stream.linear.gather [hbm4b:s18+s2], $0x640, $0x38;
	[tilespmem:$0x19C80] =	vst v63  }
0x1a7: {  	_ =	swait.ge [sflag:s8], $0xC800  }
0x1a8: {  	[sflag:s8] =	ssyncset.done $0x0  }
0x1a9: {  	[sflag:s8] =	ssyncadd.s32 $0xFFFF3800  }
0x1aa: {  	_ =	swait.ge [sflag:s19], $0x640  }
0x1ab: {  	[sflag:s19] =	ssyncset.done $0x0  }
0x1ac: {  	[sflag:s19] =	ssyncadd.s32 $0xFFFFF9C0  }
0x1ad: {  	[tilespmem:s7], [sflag:$0x3] =	stream.indirect.gather [hbm4b:s3+s11], $0x20, s2, s11, $0xb8;
	[tilespmem:$0x19C80] =	vst v63  }
0x1ae: {  	_ =	swait.ge [sflag:s13], $0xC800  }
0x1af: {  	[sflag:s13] =	ssyncset.done $0x0  }
0x1b0: {  	[sflag:s13] =	ssyncadd.s32 $0xFFFF3800  }
0x1b1: {  	[hbm4b:s6+s2] =	stream.linear.scatter [tilespmem:s9], [sflag:$0x6], $0xC800, $0x38;
	[tilespmem:$0x19C80] =	vst v63  }
0x1b2: {  	_ = 	snop  }
0x1b3: {  	[tilespmem:s11], [sflag:$0x2] =	stream.linear.gather [hbm4b:s15+s2], $0x640, $0x38;
	[tilespmem:$0x19C80] =	vst v63  }
0x1b4: {  	_ =	swait.ge [sflag:s31], $0xC800  }
0x1b5: {  	[sflag:s31] =	ssyncset.done $0x0  }
0x1b6: {  	[sflag:s31] =	ssyncadd.s32 $0xFFFF3800  }
0x1b7: {  	_ =	swait.ge [sflag:s16], $0x640  }
0x1b8: {  	[sflag:s16] =	ssyncset.done $0x0  }
0x1b9: {  	[sflag:s16] =	ssyncadd.s32 $0xFFFFF9C0  }
0x1ba: {  	[tilespmem:s9], [sflag:$0x4] =	stream.indirect.gather [hbm4b:s3+s11], $0x20, s11, s11, $0xb8;
	[tilespmem:$0x19C80] =	vst v63  }
0x1bb: {  	_ =	swait.ge [sflag:s14], $0xC800  }
0x1bc: {  	[sflag:s14] =	ssyncset.done $0x0  }
0x1bd: {  	[sflag:s14] =	ssyncadd.s32 $0xFFFF3800  }
0x1be: {  	[hbm4b:s5+s2] =	stream.linear.scatter [tilespmem:s7], [sflag:$0x5], $0xC800, $0x38;
	[tilespmem:$0x19C80] =	vst v63  }
0x1bf: {  	_ =	swait.ge [sflag:s13], $0xC800  }
0x1c0: {  	[sflag:s13] =	ssyncset.done $0x0  }
0x1c1: {  	p1 =	sne.s32 s1, $0x1;
	[sflag:s13] =	ssyncadd.s32 $0xFFFF3800  }
0x1c2: {  	[hbm4b:s0+s2] =	stream.linear.scatter [tilespmem:s9], [sflag:$0x6], $0xC800, $0x38;
	[tilespmem:$0x19C80] =	vst v63  }
.Ltmp2:
0x1c3: {  	_ =	swait.ge [sflag:s8], $0xC800;
	(pc) =	sbr.rel @p1 .LBB2_2-.Ltmp2, $4  }
0x1c4: {  	[sflag:s8] =	ssyncset.done $0x0  }
0x1c5: {  	s1 =	sadd.s32 $0xFFFFFFFF, s1;
	s17 =	smov.u32 s12;
	[sflag:s8] =	ssyncadd.s32 $0xFFFF3800  }
0x1c6: {  	s10 =	smov.u32 s5;
	s12 =	smov.u32 s6;
	_ =	swait.ge [sflag:s31], $0xC800  }
0x1c7: {  	s5 =	smov.u32 s0;
	s0 =	rddreg [dreg:$0x3];
	[sflag:s31] =	ssyncset.done $0x0  }
.LBB2_3:
0x1c8: {  	[sflag:s31] =	ssyncadd.s32 @p0 $0xFFFF3800  }
0x1c9: {  	[tilespmem:s2], [sflag:$0x1] =	stream.linear.gather [hbm4b:s0+s2], $0x640, $0x38;
	[tilespmem:$0x19C80] =	vst v63  }
0x1ca: {  	s1 =	rddreg [dreg:$0x4]  }
0x1cb: {  	[tilespmem:s11], [sflag:$0x2] =	stream.linear.gather [hbm4b:s1+s2], $0x640, $0x38;
	[tilespmem:$0x19C80] =	vst v63  }
0x1cc: {  	_ =	swait.ge [sflag:s19], $0x640  }
0x1cd: {  	[sflag:s19] =	ssyncset.done $0x0  }
0x1ce: {  	[sflag:s19] =	ssyncadd.s32 $0xFFFFF9C0  }
0x1cf: {  	[tilespmem:s7], [sflag:$0x3] =	stream.indirect.gather [hbm4b:s3+s11], $0x20, s2, s11, $0xb8;
	[tilespmem:$0x19C80] =	vst v63  }
0x1d0: {  	_ =	swait.ge [sflag:s16], $0x640  }
0x1d1: {  	[sflag:s16] =	ssyncset.done $0x0  }
0x1d2: {  	[sflag:s16] =	ssyncadd.s32 $0xFFFFF9C0  }
0x1d3: {  	[tilespmem:s9], [sflag:$0x4] =	stream.indirect.gather [hbm4b:s3+s11], $0x20, s11, s11, $0xb8;
	[tilespmem:$0x19C80] =	vst v63  }
0x1d4: {  	_ =	swait.ge [sflag:s14], $0xC800  }
0x1d5: {  	[sflag:s14] =	ssyncset.done $0x0  }
0x1d6: {  	s1 =	rddreg [dreg:$0x5];
	[sflag:s14] =	ssyncadd.s32 $0xFFFF3800  }
0x1d7: {  	[hbm4b:s1+s2] =	stream.linear.scatter [tilespmem:s7], [sflag:$0x5], $0xC800, $0x38;
	[tilespmem:$0x19C80] =	vst v63  }
0x1d8: {  	s6 =	rddreg [dreg:$0x6]  }
0x1d9: {  	[tilespmem:s2], [sflag:$0x1] =	stream.linear.gather [hbm4b:s6+s2], $0x640, $0x38;
	[tilespmem:$0x19C80] =	vst v63  }
0x1da: {  	_ =	swait.ge [sflag:s8], $0xC800  }
0x1db: {  	[sflag:s8] =	ssyncset.done $0x0  }
0x1dc: {  	[sflag:s8] =	ssyncadd.s32 $0xFFFF3800  }
0x1dd: {  	_ =	swait.ge [sflag:s19], $0x640  }
0x1de: {  	[sflag:s19] =	ssyncset.done $0x0  }
0x1df: {  	[sflag:s19] =	ssyncadd.s32 $0xFFFFF9C0  }
0x1e0: {  	[tilespmem:s7], [sflag:$0x3] =	stream.indirect.gather [hbm4b:s3+s11], $0x20, s2, s11, $0xb8;
	[tilespmem:$0x19C80] =	vst v63  }
0x1e1: {  	_ =	swait.ge [sflag:s13], $0xC800  }
0x1e2: {  	[sflag:s13] =	ssyncset.done $0x0  }
0x1e3: {  	s1 =	rddreg [dreg:$0x7];
	[sflag:s13] =	ssyncadd.s32 $0xFFFF3800  }
0x1e4: {  	[hbm4b:s1+s2] =	stream.linear.scatter [tilespmem:s9], [sflag:$0x6], $0xC800, $0x38;
	[tilespmem:$0x19C80] =	vst v63  }
0x1e5: {  	s6 =	rddreg [dreg:$0x8]  }
0x1e6: {  	[tilespmem:s11], [sflag:$0x2] =	stream.linear.gather [hbm4b:s6+s2], $0x640, $0x38;
	[tilespmem:$0x19C80] =	vst v63  }
0x1e7: {  	_ =	swait.ge [sflag:s31], $0xC800  }
0x1e8: {  	[sflag:s31] =	ssyncset.done $0x0  }
0x1e9: {  	[sflag:s31] =	ssyncadd.s32 $0xFFFF3800  }
0x1ea: {  	_ =	swait.ge [sflag:s16], $0x640  }
0x1eb: {  	[sflag:s16] =	ssyncset.done $0x0  }
0x1ec: {  	[sflag:s16] =	ssyncadd.s32 $0xFFFFF9C0  }
0x1ed: {  	[tilespmem:s9], [sflag:$0x4] =	stream.indirect.gather [hbm4b:s3+s11], $0x20, s11, s11, $0xb8;
	[tilespmem:$0x19C80] =	vst v63  }
0x1ee: {  	_ =	swait.ge [sflag:s14], $0xC800  }
0x1ef: {  	[sflag:s14] =	ssyncset.done $0x0  }
0x1f0: {  	s1 =	rddreg [dreg:$0x9];
	[sflag:s14] =	ssyncadd.s32 $0xFFFF3800  }
0x1f1: {  	[hbm4b:s1+s2] =	stream.linear.scatter [tilespmem:s7], [sflag:$0x5], $0xC800, $0x38;
	[tilespmem:$0x19C80] =	vst v63  }
0x1f2: {  	s6 =	rddreg [dreg:$0xa]  }
0x1f3: {  	[tilespmem:s2], [sflag:$0x1] =	stream.linear.gather [hbm4b:s6+s2], $0x640, $0x38;
	[tilespmem:$0x19C80] =	vst v63  }
0x1f4: {  	_ =	swait.ge [sflag:s8], $0xC800  }
0x1f5: {  	[sflag:s8] =	ssyncset.done $0x0  }
0x1f6: {  	[sflag:s8] =	ssyncadd.s32 $0xFFFF3800  }
0x1f7: {  	_ =	swait.ge [sflag:s19], $0x640  }
0x1f8: {  	[sflag:s19] =	ssyncset.done $0x0  }
0x1f9: {  	[sflag:s19] =	ssyncadd.s32 $0xFFFFF9C0  }
0x1fa: {  	[tilespmem:s7], [sflag:$0x3] =	stream.indirect.gather [hbm4b:s3+s11], $0x20, s2, s11, $0xb8;
	[tilespmem:$0x19C80] =	vst v63  }
0x1fb: {  	_ =	swait.ge [sflag:s13], $0xC800  }
0x1fc: {  	[sflag:s13] =	ssyncset.done $0x0  }
0x1fd: {  	s1 =	rddreg [dreg:$0xb];
	[sflag:s13] =	ssyncadd.s32 $0xFFFF3800  }
0x1fe: {  	[hbm4b:s1+s2] =	stream.linear.scatter [tilespmem:s9], [sflag:$0x6], $0xC800, $0x38;
	[tilespmem:$0x19C80] =	vst v63  }
0x1ff: {  	s6 =	rddreg [dreg:$0xc]  }
0x200: {  	[tilespmem:s11], [sflag:$0x2] =	stream.linear.gather [hbm4b:s6+s2], $0x640, $0x38;
	[tilespmem:$0x19C80] =	vst v63  }
0x201: {  	_ =	swait.ge [sflag:s31], $0xC800  }
0x202: {  	[sflag:s31] =	ssyncset.done $0x0  }
0x203: {  	[sflag:s31] =	ssyncadd.s32 $0xFFFF3800  }
0x204: {  	_ =	swait.ge [sflag:s16], $0x640  }
0x205: {  	[sflag:s16] =	ssyncset.done $0x0  }
0x206: {  	[sflag:s16] =	ssyncadd.s32 $0xFFFFF9C0  }
0x207: {  	[tilespmem:s9], [sflag:$0x4] =	stream.indirect.gather [hbm4b:s3+s11], $0x20, s11, s11, $0xb8;
	[tilespmem:$0x19C80] =	vst v63  }
0x208: {  	_ =	swait.ge [sflag:s14], $0xC800  }
0x209: {  	[sflag:s14] =	ssyncset.done $0x0  }
0x20a: {  	s1 =	rddreg [dreg:$0xd];
	[sflag:s14] =	ssyncadd.s32 $0xFFFF3800  }
0x20b: {  	[hbm4b:s1+s2] =	stream.linear.scatter [tilespmem:s7], [sflag:$0x5], $0xC800, $0x38;
	[tilespmem:$0x19C80] =	vst v63  }
0x20c: {  	s6 =	rddreg [dreg:$0xe]  }
0x20d: {  	[tilespmem:s2], [sflag:$0x1] =	stream.linear.gather [hbm4b:s6+s2], $0x640, $0x38;
	[tilespmem:$0x19C80] =	vst v63  }
0x20e: {  	_ =	swait.ge [sflag:s8], $0xC800  }
0x20f: {  	[sflag:s8] =	ssyncset.done $0x0  }
0x210: {  	[sflag:s8] =	ssyncadd.s32 $0xFFFF3800  }
0x211: {  	_ =	swait.ge [sflag:s19], $0x640  }
0x212: {  	[sflag:s19] =	ssyncset.done $0x0  }
0x213: {  	[sflag:s19] =	ssyncadd.s32 $0xFFFFF9C0  }
0x214: {  	[tilespmem:s7], [sflag:$0x3] =	stream.indirect.gather [hbm4b:s3+s11], $0x20, s2, s11, $0xb8;
	[tilespmem:$0x19C80] =	vst v63  }
0x215: {  	_ =	swait.ge [sflag:s13], $0xC800  }
0x216: {  	[sflag:s13] =	ssyncset.done $0x0  }
0x217: {  	s1 =	rddreg [dreg:$0xf];
	[sflag:s13] =	ssyncadd.s32 $0xFFFF3800  }
0x218: {  	[hbm4b:s1+s2] =	stream.linear.scatter [tilespmem:s9], [sflag:$0x6], $0xC800, $0x38;
	[tilespmem:$0x19C80] =	vst v63  }
0x219: {  	s6 =	rddreg [dreg:$0x10]  }
0x21a: {  	[tilespmem:s11], [sflag:$0x2] =	stream.linear.gather [hbm4b:s6+s2], $0x640, $0x38;
	[tilespmem:$0x19C80] =	vst v63  }
0x21b: {  	_ =	swait.ge [sflag:s31], $0xC800  }
0x21c: {  	[sflag:s31] =	ssyncset.done $0x0  }
0x21d: {  	[sflag:s31] =	ssyncadd.s32 $0xFFFF3800  }
0x21e: {  	_ =	swait.ge [sflag:s16], $0x640  }
0x21f: {  	[sflag:s16] =	ssyncset.done $0x0  }
0x220: {  	[sflag:s16] =	ssyncadd.s32 $0xFFFFF9C0  }
0x221: {  	[tilespmem:s9], [sflag:$0x4] =	stream.indirect.gather [hbm4b:s3+s11], $0x20, s11, s11, $0xb8;
	[tilespmem:$0x19C80] =	vst v63  }
0x222: {  	_ =	swait.ge [sflag:s14], $0xC800  }
0x223: {  	[sflag:s14] =	ssyncset.done $0x0  }
0x224: {  	[sflag:s14] =	ssyncadd.s32 $0xFFFF3800  }
0x225: {  	[hbm4b:s30+s2] =	stream.linear.scatter [tilespmem:s7], [sflag:$0x5], $0xC800, $0x38;
	[tilespmem:$0x19C80] =	vst v63  }
0x226: {  	_ = 	snop  }
0x227: {  	[tilespmem:s2], [sflag:$0x1] =	stream.linear.gather [hbm4b:s4+s2], $0x640, $0x38;
	[tilespmem:$0x19C80] =	vst v63  }
0x228: {  	_ =	swait.ge [sflag:s8], $0xC800  }
0x229: {  	[sflag:s8] =	ssyncset.done $0x0  }
0x22a: {  	[sflag:s8] =	ssyncadd.s32 $0xFFFF3800  }
0x22b: {  	_ =	swait.ge [sflag:s19], $0x640  }
0x22c: {  	[sflag:s19] =	ssyncset.done $0x0  }
0x22d: {  	[sflag:s19] =	ssyncadd.s32 $0xFFFFF9C0  }
0x22e: {  	[tilespmem:s7], [sflag:$0x3] =	stream.indirect.gather [hbm4b:s3+s11], $0x20, s2, s11, $0xb8;
	[tilespmem:$0x19C80] =	vst v63  }
0x22f: {  	_ =	swait.ge [sflag:s13], $0xC800  }
0x230: {  	[sflag:s13] =	ssyncset.done $0x0  }
0x231: {  	[sflag:s13] =	ssyncadd.s32 $0xFFFF3800  }
0x232: {  	[hbm4b:s28+s2] =	stream.linear.scatter [tilespmem:s9], [sflag:$0x6], $0xC800, $0x38;
	[tilespmem:$0x19C80] =	vst v63  }
0x233: {  	_ = 	snop  }
0x234: {  	[tilespmem:s11], [sflag:$0x2] =	stream.linear.gather [hbm4b:s29+s2], $0x640, $0x38;
	[tilespmem:$0x19C80] =	vst v63  }
0x235: {  	_ =	swait.ge [sflag:s31], $0xC800  }
0x236: {  	[sflag:s31] =	ssyncset.done $0x0  }
0x237: {  	[sflag:s31] =	ssyncadd.s32 $0xFFFF3800  }
0x238: {  	_ =	swait.ge [sflag:s16], $0x640  }
0x239: {  	[sflag:s16] =	ssyncset.done $0x0  }
0x23a: {  	[sflag:s16] =	ssyncadd.s32 $0xFFFFF9C0  }
0x23b: {  	[tilespmem:s9], [sflag:$0x4] =	stream.indirect.gather [hbm4b:s3+s11], $0x20, s11, s11, $0xb8;
	[tilespmem:$0x19C80] =	vst v63  }
0x23c: {  	_ =	swait.ge [sflag:s14], $0xC800  }
0x23d: {  	[sflag:s14] =	ssyncset.done $0x0  }
0x23e: {  	[sflag:s14] =	ssyncadd.s32 $0xFFFF3800  }
0x23f: {  	[hbm4b:s25+s2] =	stream.linear.scatter [tilespmem:s7], [sflag:$0x5], $0xC800, $0x38;
	[tilespmem:$0x19C80] =	vst v63  }
0x240: {  	_ = 	snop  }
0x241: {  	[tilespmem:s2], [sflag:$0x1] =	stream.linear.gather [hbm4b:s26+s2], $0x640, $0x38;
	[tilespmem:$0x19C80] =	vst v63  }
0x242: {  	_ =	swait.ge [sflag:s8], $0xC800  }
0x243: {  	[sflag:s8] =	ssyncset.done $0x0  }
0x244: {  	[sflag:s8] =	ssyncadd.s32 $0xFFFF3800  }
0x245: {  	_ =	swait.ge [sflag:s19], $0x640  }
0x246: {  	[sflag:s19] =	ssyncset.done $0x0  }
0x247: {  	[sflag:s19] =	ssyncadd.s32 $0xFFFFF9C0  }
0x248: {  	[tilespmem:s7], [sflag:$0x3] =	stream.indirect.gather [hbm4b:s3+s11], $0x20, s2, s11, $0xb8;
	[tilespmem:$0x19C80] =	vst v63  }
0x249: {  	_ =	swait.ge [sflag:s13], $0xC800  }
0x24a: {  	[sflag:s13] =	ssyncset.done $0x0  }
0x24b: {  	[sflag:s13] =	ssyncadd.s32 $0xFFFF3800  }
0x24c: {  	[hbm4b:s23+s2] =	stream.linear.scatter [tilespmem:s9], [sflag:$0x6], $0xC800, $0x38;
	[tilespmem:$0x19C80] =	vst v63  }
0x24d: {  	_ = 	snop  }
0x24e: {  	[tilespmem:s11], [sflag:$0x2] =	stream.linear.gather [hbm4b:s24+s2], $0x640, $0x38;
	[tilespmem:$0x19C80] =	vst v63  }
0x24f: {  	_ =	swait.ge [sflag:s31], $0xC800  }
0x250: {  	[sflag:s31] =	ssyncset.done $0x0  }
0x251: {  	[sflag:s31] =	ssyncadd.s32 $0xFFFF3800  }
0x252: {  	_ =	swait.ge [sflag:s16], $0x640  }
0x253: {  	[sflag:s16] =	ssyncset.done $0x0  }
0x254: {  	[sflag:s16] =	ssyncadd.s32 $0xFFFFF9C0  }
0x255: {  	[tilespmem:s9], [sflag:$0x4] =	stream.indirect.gather [hbm4b:s3+s11], $0x20, s11, s11, $0xb8;
	[tilespmem:$0x19C80] =	vst v63  }
0x256: {  	_ =	swait.ge [sflag:s14], $0xC800  }
0x257: {  	[sflag:s14] =	ssyncset.done $0x0  }
0x258: {  	[sflag:s14] =	ssyncadd.s32 $0xFFFF3800  }
0x259: {  	[hbm4b:s21+s2] =	stream.linear.scatter [tilespmem:s7], [sflag:$0x5], $0xC800, $0x38;
	[tilespmem:$0x19C80] =	vst v63  }
0x25a: {  	_ = 	snop  }
0x25b: {  	[tilespmem:s2], [sflag:$0x1] =	stream.linear.gather [hbm4b:s22+s2], $0x640, $0x38;
	[tilespmem:$0x19C80] =	vst v63  }
0x25c: {  	_ =	swait.ge [sflag:s8], $0xC800  }
0x25d: {  	[sflag:s8] =	ssyncset.done $0x0  }
0x25e: {  	[sflag:s8] =	ssyncadd.s32 $0xFFFF3800  }
0x25f: {  	_ =	swait.ge [sflag:s19], $0x640  }
0x260: {  	[sflag:s19] =	ssyncset.done $0x0  }
0x261: {  	[sflag:s19] =	ssyncadd.s32 $0xFFFFF9C0  }
0x262: {  	[tilespmem:s7], [sflag:$0x3] =	stream.indirect.gather [hbm4b:s3+s11], $0x20, s2, s11, $0xb8;
	[tilespmem:$0x19C80] =	vst v63  }
0x263: {  	_ =	swait.ge [sflag:s13], $0xC800  }
0x264: {  	[sflag:s13] =	ssyncset.done $0x0  }
0x265: {  	s30 =	rddreg [dreg:$0x12];
	[sflag:s13] =	ssyncadd.s32 $0xFFFF3800  }
0x266: {  	[hbm4b:s30+s2] =	stream.linear.scatter [tilespmem:s9], [sflag:$0x6], $0xC800, $0x38;
	[tilespmem:$0x19C80] =	vst v63  }
0x267: {  	_ = 	snop  }
0x268: {  	[tilespmem:s11], [sflag:$0x2] =	stream.linear.gather [hbm4b:s20+s2], $0x640, $0x38;
	[tilespmem:$0x19C80] =	vst v63  }
0x269: {  	_ =	swait.ge [sflag:s31], $0xC800  }
0x26a: {  	[sflag:s31] =	ssyncset.done $0x0  }
0x26b: {  	[sflag:s31] =	ssyncadd.s32 $0xFFFF3800  }
0x26c: {  	_ =	swait.ge [sflag:s16], $0x640  }
0x26d: {  	[sflag:s16] =	ssyncset.done $0x0  }
0x26e: {  	[sflag:s16] =	ssyncadd.s32 $0xFFFFF9C0  }
0x26f: {  	[tilespmem:s9], [sflag:$0x4] =	stream.indirect.gather [hbm4b:s3+s11], $0x20, s11, s11, $0xb8;
	[tilespmem:$0x19C80] =	vst v63  }
0x270: {  	_ =	swait.ge [sflag:s14], $0xC800  }
0x271: {  	[sflag:s14] =	ssyncset.done $0x0  }
0x272: {  	[sflag:s14] =	ssyncadd.s32 $0xFFFF3800  }
0x273: {  	[hbm4b:s17+s2] =	stream.linear.scatter [tilespmem:s7], [sflag:$0x5], $0xC800, $0x38;
	[tilespmem:$0x19C80] =	vst v63  }
0x274: {  	_ = 	snop  }
0x275: {  	[tilespmem:s2], [sflag:$0x1] =	stream.linear.gather [hbm4b:s18+s2], $0x640, $0x38;
	[tilespmem:$0x19C80] =	vst v63  }
0x276: {  	_ =	swait.ge [sflag:s8], $0xC800  }
0x277: {  	[sflag:s8] =	ssyncset.done $0x0  }
0x278: {  	[sflag:s8] =	ssyncadd.s32 $0xFFFF3800  }
0x279: {  	_ =	swait.ge [sflag:s19], $0x640  }
0x27a: {  	[sflag:s19] =	ssyncset.done $0x0  }
0x27b: {  	[sflag:s19] =	ssyncadd.s32 $0xFFFFF9C0  }
0x27c: {  	[tilespmem:s7], [sflag:$0x3] =	stream.indirect.gather [hbm4b:s3+s11], $0x20, s2, s11, $0xb8;
	[tilespmem:$0x19C80] =	vst v63  }
0x27d: {  	_ =	swait.ge [sflag:s13], $0xC800  }
0x27e: {  	[sflag:s13] =	ssyncset.done $0x0  }
0x27f: {  	[sflag:s13] =	ssyncadd.s32 $0xFFFF3800  }
0x280: {  	[hbm4b:s12+s2] =	stream.linear.scatter [tilespmem:s9], [sflag:$0x6], $0xC800, $0x38;
	[tilespmem:$0x19C80] =	vst v63  }
0x281: {  	_ = 	snop  }
0x282: {  	[tilespmem:s11], [sflag:$0x2] =	stream.linear.gather [hbm4b:s15+s2], $0x640, $0x38;
	[tilespmem:$0x19C80] =	vst v63  }
0x283: {  	_ =	swait.ge [sflag:s31], $0xC800  }
0x284: {  	[sflag:s31] =	ssyncset.done $0x0  }
0x285: {  	[sflag:s31] =	ssyncadd.s32 $0xFFFF3800  }
0x286: {  	_ =	swait.ge [sflag:s16], $0x640  }
0x287: {  	[sflag:s16] =	ssyncset.done $0x0  }
0x288: {  	[sflag:s16] =	ssyncadd.s32 $0xFFFFF9C0  }
0x289: {  	[tilespmem:s9], [sflag:$0x4] =	stream.indirect.gather [hbm4b:s3+s11], $0x20, s11, s11, $0xb8;
	[tilespmem:$0x19C80] =	vst v63  }
0x28a: {  	_ =	swait.ge [sflag:s14], $0xC800  }
0x28b: {  	[sflag:s14] =	ssyncset.done $0x0  }
0x28c: {  	[sflag:s14] =	ssyncadd.s32 $0xFFFF3800  }
0x28d: {  	[hbm4b:s10+s2] =	stream.linear.scatter [tilespmem:s7], [sflag:$0x5], $0xC800, $0x38;
	[tilespmem:$0x19C80] =	vst v63  }
0x28e: {  	_ =	swait.ge [sflag:s13], $0xC800  }
0x28f: {  	[sflag:s13] =	ssyncset.done $0x0  }
0x290: {  	[sflag:s13] =	ssyncadd.s32 $0xFFFF3800  }
0x291: {  	[hbm4b:s5+s2] =	stream.linear.scatter [tilespmem:s9], [sflag:$0x6], $0xC800, $0x38;
	[tilespmem:$0x19C80] =	vst v63  }
0x292: {  	_ =	swait.ge [sflag:s8], $0xC800  }
0x293: {  	[sflag:s8] =	ssyncset.done $0x0  }
0x294: {  	[sflag:s8] =	ssyncadd.s32 $0xFFFF3800  }
0x295: {  	_ =	swait.ge [sflag:s31], $0xC800  }
0x296: {  	[sflag:s31] =	ssyncset.done $0x0  }
0x297: {  	[sflag:s31] =	ssyncadd.s32 $0xFFFF3800  }
0x298: {  	_ =	sfence.sel $0x180000  }
0x299: {  	[bflag:$0x0] =	sbarrier.arrive $0xFFFF  }
0x29a: {  	_ =	strace $0x90000047  }
0x29b: {  	s31 =	stileid.u32;
	[bflag:$0x2] =	sbarrier.arrive $0xFFFF  }
0x29c: {  	p0 =	sne.s32 s31, $0x0;
	s0 =	rddreg [dreg:$0x2]  }
0x29d: {  	s0 =	sadd.s32 @!p0 $0x100000, s0  }
0x29e: {  	[sflag:s0] =	ssyncadd.tile.s32 @!p0 $0x1;
	_ =	shalt  }
.Lfunc_end2:
_tile_overlayer_lowered:
.L_overlay_start_2:
0x29f: {  	(tag) =	ssettag $0x2  }
0x2a0: {  	s0 =	rddreg [dreg:$0x0];
	s2 =	stileid.u32  }
0x2a1: {  	s1 =	rddreg [dreg:$0x1];
	p0 =	sne.s32 s2, $0x0  }
0x2a2: {  	s3 =	rddreg [dreg:$0x2];
	[bflag:$0x3] =	sbarrier.arrive $0xFFFF;
	s2 =	simm.s32 @!p0 $0x1C07  }
0x2a3: {  	[timem:s3], [sflag:s2] =	dma.local @!p0 [hbm:s0], s1  }
0x2a4: {  	s0 =	simm.s32 @!p0 $0x7  }
0x2a5: {  	_ =	swait.ge @!p0 [sflag:s0], s1  }
0x2a6: {  	s1 =	ssub.s32 @!p0 $0x0, s1;
	[sflag:s0] =	ssyncset.done @!p0 $0x0  }
0x2a7: {  	[sflag:s0] =	ssyncadd.s32 @!p0 s1  }
0x2a8: {  	[bflag:$0x3] =	sbarrier.arrive $0xFFFF  }
0x2a9: {  	_ =	shalt  }

// kernel: sparse-core-data-format-call.1.cloned.1.call-start
scs
called_computation.1_lowered:
.L_overlay_start_0:
0x0: {  	s2 =	sld [smem:$0x3FD9]  }
0x1: {  	s3 =	sld [smem:$0x3FFE];
	_ =	sdelay $0x1  }
0x2: {  	s1 =	srdreg.scid  }
0x3: {  	s0 =	sand.u32 $0x1, s1  }
0x4: {  	s18 =	sshll.u32 s0, $0xA;
	s2 =	sadd.s32 s3, s2  }
0x5: {  	s2 =	sadd.s32 s2, s18  }
0x6: {  	[smem:$0x3FC6] =	sst s2  }
0x7: {  	_ = 	snop  }
0x8: {  	s2 =	sld [smem:$0x3FD0];
	(tm) =	ssettm $0x1  }
0x9: {  	s19 =	sld [smem:$0x3FFB];
	_ =	sdelay $0x3  }
0xa: {  	_ =	strace s19  }
0xb: {  	s3 =	sld [smem:$0x3FFC];
	_ =	sdelay $0x3  }
0xc: {  	_ =	strace s3  }
0xd: {  	s3 =	sld [smem:$0x3FFD];
	_ =	sdelay $0x3  }
0xe: {  	_ =	strace s3  }
0xf: {  	_ =	strace $0x8FFFFFFF  }
0x10: {  	s20 =	sld [smem:$0x3FDB];
	_ =	sdelay $0x1  }
0x11: {  	s4 =	simm.s32 $_scs_section_size  }
0x12: {  	s5 =	simm.s32 $_size__tile_overlayer_lowered;
	s6 =	simm.s32 $_tile_overlayer_lowered  }
0x13: {  	s23 =	simm.s32 $0x1BFF;
	s22 =	sshll.u32 s6, $0x1;
	s3 =	sadd.s32 s4, s20  }
0x14: {  	s7 =	simm.s32 $0x0;
	s21 =	sshll.u32 s5, $0x1;
	s5 =	sadd.s32 s22, s3  }
0x15: {  	[timem:s7], [sflag:s23] =	dma.local [hbm:s5], s21  }
0x16: {  	_ =	swait.ge [sflag:s23], s21  }
0x17: {  	s4 =	ssub.s32 $0x0, s21;
	[sflag:s23] =	ssyncset.done $0x0  }
0x18: {  	[sflag:s23] =	ssyncadd.s32 s4;
	_ =	sdelay $0x1  }
0x19: {  	s24 =	simm.s32 $0x1B8B  }
0x1a: {  	_ =	swait.ge [sflag:s24], $0x1  }
0x1b: {  	[sflag:s24] =	ssyncset.done $0x0  }
0x1c: {  	s26 =	simm.s32 $0x1B8E;
	s25 =	sld [smem:$0x3FFE];
	[sflag:s24] =	ssyncadd.s32 $0xFFFFFFFF  }
0x1d: {  	s27 =	simm.s32 $execute0_lowered;
	[smem:$0x3FD2] =	sst s26  }
0x1e: {  	s5 =	sshll.u32 s27, $0x1;
	_ =	strace $0x80000049;
	[dreg:$0x1] =	wrdreg $0xFFFFFFFF  }
0x1f: {  	s28 =	simm.s32 $_size_execute0_lowered;
	s3 =	sadd.s32 s3, s5;
	[dreg:$0x0] =	wrdreg $0x0  }
0x20: {  	s5 =	sshll.u32 s28, $0x1;
	[dreg:$0x2] =	wrdreg s3  }
0x21: {  	[dreg:$0x3] =	wrdreg s5  }
0x22: {  	[dreg:$0x4] =	wrdreg $0xC0  }
0x23: {  	_ =	task [dreg:s7], $0x5FFFF  }
0x24: {  	[dreg:$0x1] =	wrdreg $0xFFFFFFFF  }
0x25: {  	[dreg:$0x0] =	wrdreg $0x60  }
0x26: {  	[dreg:$0x2] =	wrdreg s25  }
0x27: {  	[dreg:$0x3] =	wrdreg s2  }
0x28: {  	[dreg:$0x4] =	wrdreg $0x9  }
0x29: {  	_ =	task.clear_ibuf [dreg:s7], $0x5FFFF;
	_ =	strace $0x90000049  }
0x2a: {  	s29 =	simm.s32 $0x9;
	_ =	strace $0x8000004B  }
0x2b: {  	_ =	swait.ge [sflag:s29], $0x1  }
0x2c: {  	[sflag:s29] =	ssyncadd.s32 $0xFFFFFFFF  }
0x2d: {  	_ =	strace $0x9000004B  }
0x2e: {  	_ =	sfence  }
0x2f: {  	s30 =	sld [smem:$0x0];
	_ =	sdelay $0x2  }
0x30: {  	s31 =	sshll.u32 s1, $0xD;
	s1 =	sshrl.u32 s1, $0x2  }
0x31: {  	s3 =	sand.u32 $0x4000, s31;
	s1 =	sadd.s32 s1, s30  }
0x32: {  	s0 =	sor.u32 s3, s0;
	s1 =	sshll.u32 s1, $0x11  }
0x33: {  	s0 =	sor.u32 s1, s0  }
0x34: {  	s0 =	sadd.s32 $0x8F2B, s0  }
0x35: {  	[sflag:s0] =	ssyncadd.remote.s32 $0x1  }
0x36: {  	_ =	sfence.sel $0xFFFF  }
0x37: {  	[dreg:$0x0] =	wrdreg $0xFFFFFFFF;
	(pc) =	sbr.abs _section_cstart, $3  }
0x38: {  	[dreg:$0x1] =	wrdreg $0xFFFFFFFF  }
0x39: {  	_ =	task.clear_ibuf [dreg:s7], $0x2FFFF;
	_ =	strace $0x9FFFFFFF  }
0x3a: {  	(tm) =	ssettm $0x7FFFFFFF  }
0x3b: {  	_ =	shalt  }
tec
execute0_lowered:
.L_overlay_start_1:
0x0: {  	(tag) =	ssettag $0x1  }
0x1: {  	s0 =	srdreg.scid  }
0x2: {  	s1 =	sshll.u32 s0, $0x4  }
0x3: {  	s4 =	rddreg [dreg:$0x0];
	s0 =	stileid.u32;
	s1 =	sand.u32 $0x10, s1  }
0x4: {  	s2 =	rddreg [dreg:$0x1];
	s7 =	simm.s32 $0x1;
	s1 =	sor.u32 s0, s1  }
0x5: {  	s8 =	simm.s32 $0x2;
	s11 =	simm.s32 $0x0;
	s3 =	sshll.u32 s1, $0x7  }
0x6: {  	s10 =	simm.s32 $0x0;
	s4 =	sadd.s32 $0xE00, s4;
	s6 =	ssub.s32 $0xC8000, s3  }
.Ltmp0:
0x7: {  	s1 =	rddreg [dreg:$0x2];
	s5 =	sand.u32 $0xF80, s6;
	(pc) =	sbr.rel .LBB1_1-.Ltmp0, $4  }
0x8: {  	_ =	strace $0x8000004A;
	s9 =	smov.u32 s3;
	p0 =	sne.s32 s5, $0x0  }
0x9: {  	s6 =	sshrl.u32 s6, $0xC;
	s5 =	simm.s32 $0x1;
	s7 =	simm.s32 @!p0 $0x0  }
0xa: {  	[sflag:s5] =	ssyncpa.u1 $0x0;
	p0 =	por $0x0, $0x0;
	s6 =	sadd.s32 s7, s6  }
0xb: {  	[sflag:s8] =	ssyncpa.u1 $0x0;
	s8 =	simm.s32 $0x640000;
	s7 =	sadd.s32 $0x1, s6  }
.LBB1_4:
0xc: {  	s14 =	sshll.u32 s11, $0x3  }
0xd: {  	s30 =	sand.u32 $0x7F, s11;
	s15 =	sand.u32 $0xFFFFFC00, s14  }
0xe: {  	s11 =	sor.u32 s30, s15  }
0xf: {  	s15 =	smulhi.u32 $0x51EB851F, s11  }
0x10: {  	s14 =	smulhi.u32 $0x51EB851F, s14  }
0x11: {  	s15 =	sshrl.u32 s15, $0x12  }
0x12: {  	s14 =	sshrl.u32 s14, $0x12;
	s15 =	smul.u32 $0xC8000, s15  }
0x13: {  	s14 =	sand.u32 $0x1F, s14  }
0x14: {  	s14 =	smul.u32 $0x19000, s14;
	s11 =	ssub.s32 s11, s15  }
0x15: {  	s15 =	sand.u32 $0x7, s11  }
0x16: {  	s14 =	sadd.s32 s2, s14;
	s11 =	sshrl.u32 s11, $0x3;
	s15 =	sshll.u32 s15, $0x12  }
0x17: {  	[tilespmem:s13+$0x0 ss:$0x81] =	vst.msk $0xffff, v0;
	s11 =	sadd.s32 s11, s14;
	s31 =	sor.u32 $0x400, s15  }
0x18: {  	[hbm4b:s11+s31] =	stream.strided.scatter [tilespmem:s12], [sflag:$0x2], $0x1000, s8, s31, $0x20;
	[tilespmem:$0x4040] =	vst v63  }
.LBB1_5:
0x19: {  	s13 =	sadd.s32 $0x1000, s9  }
0x1a: {  	p2 =	sgt.s32 s13, $0xC7FFF  }
0x1b: {  	s13 =	smov.u32 @p2 s3;
	p2 =	sne.s32 s10, s7  }
.Ltmp1:
0x1c: {  	p1 =	slt.u32 s10, $0x2;
	(pc) =	sbr.rel @!p2 .LBB1_6-.Ltmp1, $4  }
0x1d: {  	s12 =	simm.s32 @!p1 $0x2  }
0x1e: {  	s14 =	sadd.s32 $0x1, s10;
	_ =	swait.ge @!p1 [sflag:s12], $0x1000  }
0x1f: {  	s11 =	smov.u32 s9;
	p0 =	por !p0, !p0;
	[sflag:s12] =	ssyncset.done @!p1 $0x0  }
0x20: {  	s10 =	smov.u32 s14;
	s9 =	smov.u32 s13;
	[sflag:s12] =	ssyncadd.s32 @!p1 $0xFFFFF000  }
.LBB1_1:
0x21: {  	p1 =	sge.u32 s10, s6  }
0x22: {  	s12 =	sand.u32 @!p1 $0x1FFFFFF, s9  }
0x23: {  	s13 =	smulhi.u32 @!p1 $0x147AE15, s12;
	_ =	sdelay $0x1  }
0x24: {  	s13 =	sshrl.u32 @!p1 s13, $0xC  }
0x25: {  	s13 =	smul.u32 @!p1 $0xC8000, s13;
	_ =	sdelay $0x1  }
0x26: {  	s31 =	sadd.s32 $0xFFFFFFFF, s10;
	s14 =	sxor.u32 @!p1 $0xFFFFFFFF, s10;
	s12 =	ssub.s32 @!p1 s12, s13  }
0x27: {  	s15 =	simm.s32 @!p1 $0x80;
	s14 =	sshll.u32 @!p1 s14, $0xC;
	s12 =	sshll.u32 @!p1 s12, $0x4  }
0x28: {  	s13 =	sand.u32 @!p1 $0x1000, s14;
	s14 =	simm.s32 @!p1 $0x20;
	s12 =	sadd.s32 @!p1 s4, s12  }
0x29: {  	[tilespmem:s13], [sflag:$0x1] =	stream.strided.gather @!p1 [hbm4b:s12+s14], $0x1000, s15, s14, $0x38;
	[tilespmem:$0x4040] =	vst v63  }
0x2a: {  	p1 =	sge.u32 s31, s6  }
.Ltmp2:
0x2b: {  	_ = 	snop;
	(pc) =	sbr.rel @p1 .LBB1_5-.Ltmp2, $1  }
0x2c: {  	_ =	sdelay $0x3  }
0x2d: {  	s12 =	simm.s32 $0x1  }
0x2e: {  	_ =	swait.ge [sflag:s5], $0x1000;
	s12 =	simm.s32 @!p0 $0x0  }
0x2f: {  	[sflag:s5] =	ssyncset.done $0x0;
	s13 =	sshll.u32 s12, $0xC  }
0x30: {  	[sflag:s5] =	ssyncadd.s32 $0xFFFFF000;
	s16 =	sor.u32 $0x10, s13  }
0x31: {  	s12 =	smul.u32 $0x4080, s12;
	v1 =	vld [tilespmem:s16+$0x0]  }
0x32: {  	s30 =	sand.u32 $0x1, s10;
	v0 =	vld [tilespmem:s16+$0xFFFFFFF0]  }
0x33: {  	s13 =	smul.u32 $0x4080, s30;
	s12 =	sshrl.u32 s12, $0x2  }
0x34: {  	s14 =	sor.u32 $0x2000, s12  }
0x35: {  	s31 =	sshrl.u32 s13, $0x2;
	s13 =	sadd.s32 $0x0, s14  }
0x36: {  	s15 =	simm.s32 $0x4;
	s16 =	sadd.s32 $0x20, s16;
	s12 =	sor.u32 $0x2000, s31;
	[tilespmem:s13+$0x810 ss:$0x81] =	vst.msk $0xffff, v1  }
.LBB1_3:
0x37: {  	v1 =	vld [tilespmem:s16+$0x0];
	p1 =	sne.s32 s15, $0x1FC;
	[tilespmem:s13+$0x0 ss:$0x81] =	vst.msk $0xffff, v0;
	s13 =	smov.u32 s15;
	s15 =	sadd.s32 $0x4, s15  }
.Ltmp3:
0x38: {  	v0 =	vld [tilespmem:s16+$0xFFFFFFF0];
	(pc) =	sbr.rel @p1 .LBB1_3-.Ltmp3, $4  }
0x39: {  	_ = 	snop  }
0x3a: {  	s13 =	sshra.s32 s13, $0x2  }
0x3b: {  	s13 =	sadd.s32 s13, s14  }
0x3c: {  	s16 =	sadd.s32 $0x20, s16;
	[tilespmem:s13+$0x810 ss:$0x81] =	vst.msk $0xffff, v1  }
.Ltmp4:
0x3d: {  	_ = 	snop;
	(pc) =	sbr.rel .LBB1_4-.Ltmp4, $1  }
0x3e: {  	_ =	sdelay $0x3  }
.LBB1_6:
0x3f: {  	_ =	sfence.sel $0x180000  }
0x40: {  	s2 =	simm.s32 $0x1;
	[bflag:$0x0] =	sbarrier.arrive $0xFFFF  }
0x41: {  	s31 =	simm.s32 $0x2;
	[sflag:s2] =	ssyncpa.u1 $0x1  }
0x42: {  	[sflag:s31] =	ssyncpa.u1 $0x1  }
0x43: {  	p0 =	sne.s32 s0, $0x0;
	_ =	strace $0x9000004A  }
0x44: {  	s0 =	sadd.s32 @!p0 $0x100000, s1;
	[bflag:$0x2] =	sbarrier.arrive $0xFFFF  }
0x45: {  	[sflag:s0] =	ssyncadd.tile.s32 @!p0 $0x1;
	_ =	shalt  }
.Lfunc_end1:
_tile_overlayer_lowered:
.L_overlay_start_2:
0x46: {  	(tag) =	ssettag $0x2  }
0x47: {  	s0 =	rddreg [dreg:$0x0];
	s2 =	stileid.u32  }
0x48: {  	s1 =	rddreg [dreg:$0x1];
	p0 =	sne.s32 s2, $0x0  }
0x49: {  	s3 =	rddreg [dreg:$0x2];
	[bflag:$0x3] =	sbarrier.arrive $0xFFFF;
	s2 =	simm.s32 @!p0 $0x1C01  }
0x4a: {  	[timem:s3], [sflag:s2] =	dma.local @!p0 [hbm:s0], s1  }
0x4b: {  	s0 =	simm.s32 @!p0 $0x1  }
0x4c: {  	_ =	swait.ge @!p0 [sflag:s0], s1  }
0x4d: {  	s1 =	ssub.s32 @!p0 $0x0, s1;
	[sflag:s0] =	ssyncset.done @!p0 $0x0  }
0x4e: {  	[sflag:s0] =	ssyncadd.s32 @!p0 s1  }
0x4f: {  	[bflag:$0x3] =	sbarrier.arrive $0xFFFF  }
0x50: {  	_ =	shalt  }

// kernel: sparse-core-data-format-call.cloned.1.call-start
scs
called_computation_lowered:
.L_overlay_start_0:
0x0: {  	s2 =	sld [smem:$0x3FD9]  }
0x1: {  	s3 =	sld [smem:$0x3FFE];
	_ =	sdelay $0x1  }
0x2: {  	s1 =	srdreg.scid  }
0x3: {  	s0 =	sand.u32 $0x1, s1  }
0x4: {  	s18 =	sshll.u32 s0, $0xA;
	s2 =	sadd.s32 s3, s2  }
0x5: {  	s2 =	sadd.s32 s2, s18  }
0x6: {  	[smem:$0x3FC6] =	sst s2  }
0x7: {  	_ = 	snop  }
0x8: {  	s2 =	sld [smem:$0x3FD0];
	(tm) =	ssettm $0x1  }
0x9: {  	s19 =	sld [smem:$0x3FFB];
	_ =	sdelay $0x3  }
0xa: {  	_ =	strace s19  }
0xb: {  	s3 =	sld [smem:$0x3FFC];
	_ =	sdelay $0x3  }
0xc: {  	_ =	strace s3  }
0xd: {  	s3 =	sld [smem:$0x3FFD];
	_ =	sdelay $0x3  }
0xe: {  	_ =	strace s3  }
0xf: {  	_ =	strace $0x8FFFFFFF  }
0x10: {  	s20 =	sld [smem:$0x3FDB];
	_ =	sdelay $0x1  }
0x11: {  	s4 =	simm.s32 $_scs_section_size  }
0x12: {  	s5 =	simm.s32 $_size__tile_overlayer_lowered;
	s6 =	simm.s32 $_tile_overlayer_lowered  }
0x13: {  	s23 =	simm.s32 $0x1BFF;
	s22 =	sshll.u32 s6, $0x1;
	s3 =	sadd.s32 s4, s20  }
0x14: {  	s7 =	simm.s32 $0x0;
	s21 =	sshll.u32 s5, $0x1;
	s5 =	sadd.s32 s22, s3  }
0x15: {  	[timem:s7], [sflag:s23] =	dma.local [hbm:s5], s21  }
0x16: {  	_ =	swait.ge [sflag:s23], s21  }
0x17: {  	s4 =	ssub.s32 $0x0, s21;
	[sflag:s23] =	ssyncset.done $0x0  }
0x18: {  	[sflag:s23] =	ssyncadd.s32 s4;
	_ =	sdelay $0x1  }
0x19: {  	s24 =	simm.s32 $0x1B8B  }
0x1a: {  	_ =	swait.ge [sflag:s24], $0x1  }
0x1b: {  	[sflag:s24] =	ssyncset.done $0x0  }
0x1c: {  	s26 =	simm.s32 $0x1B8E;
	s25 =	sld [smem:$0x3FFE];
	[sflag:s24] =	ssyncadd.s32 $0xFFFFFFFF  }
0x1d: {  	s27 =	simm.s32 $execute0_lowered;
	[smem:$0x3FD2] =	sst s26  }
0x1e: {  	s5 =	sshll.u32 s27, $0x1;
	_ =	strace $0x8000004C;
	[dreg:$0x1] =	wrdreg $0xFFFFFFFF  }
0x1f: {  	s28 =	simm.s32 $_size_execute0_lowered;
	s3 =	sadd.s32 s3, s5;
	[dreg:$0x0] =	wrdreg $0x0  }
0x20: {  	s5 =	sshll.u32 s28, $0x1;
	[dreg:$0x2] =	wrdreg s3  }
0x21: {  	[dreg:$0x3] =	wrdreg s5  }
0x22: {  	[dreg:$0x4] =	wrdreg $0xC0  }
0x23: {  	_ =	task [dreg:s7], $0x5FFFF  }
0x24: {  	[dreg:$0x1] =	wrdreg $0xFFFFFFFF  }
0x25: {  	[dreg:$0x0] =	wrdreg $0x60  }
0x26: {  	[dreg:$0x2] =	wrdreg s25  }
0x27: {  	[dreg:$0x3] =	wrdreg s2  }
0x28: {  	[dreg:$0x4] =	wrdreg $0x9  }
0x29: {  	_ =	task.clear_ibuf [dreg:s7], $0x5FFFF;
	_ =	strace $0x9000004C  }
0x2a: {  	s29 =	simm.s32 $0x9;
	_ =	strace $0x8000004E  }
0x2b: {  	_ =	swait.ge [sflag:s29], $0x1  }
0x2c: {  	[sflag:s29] =	ssyncadd.s32 $0xFFFFFFFF  }
0x2d: {  	_ =	strace $0x9000004E  }
0x2e: {  	_ =	sfence  }
0x2f: {  	s30 =	sld [smem:$0x0];
	_ =	sdelay $0x2  }
0x30: {  	s31 =	sshll.u32 s1, $0xD;
	s1 =	sshrl.u32 s1, $0x2  }
0x31: {  	s3 =	sand.u32 $0x4000, s31;
	s1 =	sadd.s32 s1, s30  }
0x32: {  	s0 =	sor.u32 s3, s0;
	s1 =	sshll.u32 s1, $0x11  }
0x33: {  	s0 =	sor.u32 s1, s0  }
0x34: {  	s0 =	sadd.s32 $0x8F2B, s0  }
0x35: {  	[sflag:s0] =	ssyncadd.remote.s32 $0x1  }
0x36: {  	_ =	sfence.sel $0xFFFF  }
0x37: {  	[dreg:$0x0] =	wrdreg $0xFFFFFFFF;
	(pc) =	sbr.abs _section_cstart, $3  }
0x38: {  	[dreg:$0x1] =	wrdreg $0xFFFFFFFF  }
0x39: {  	_ =	task.clear_ibuf [dreg:s7], $0x2FFFF;
	_ =	strace $0x9FFFFFFF  }
0x3a: {  	(tm) =	ssettm $0x7FFFFFFF  }
0x3b: {  	_ =	shalt  }
tec
execute0_lowered:
.L_overlay_start_1:
0x0: {  	(tag) =	ssettag $0x1  }
0x1: {  	s8 =	rddreg [dreg:$0x0]  }
0x2: {  	s2 =	rddreg [dreg:$0x1];
	s1 =	stileid.u32  }
0x3: {  	s4 =	srdreg.scid;
	s0 =	rddreg [dreg:$0x2];
	_ =	strace $0x8000004D  }
0x4: {  	s9 =	simm.s32 $0x1;
	s31 =	simm.s32 $0x2;
	s16 =	simm.s32 $0x0  }
0x5: {  	s17 =	simm.s32 $0x0;
	s11 =	simm.s32 $0x0;
	s12 =	simm.s32 $0x0  }
0x6: {  	s15 =	simm.s32 $0x0;
	s3 =	sshll.u32 s1, $0x1;
	s4 =	sshll.u32 s4, $0x7  }
0x7: {  	s4 =	sand.u32 $0x80, s4;
	s5 =	ssub.s32 $0x20, s3;
	s14 =	smov.u32 s3  }
0x8: {  	s6 =	sshrl.u32 s5, $0x5;
	s5 =	sand.u32 $0x1E, s5;
	s7 =	ssub.s32 $0x4000, s4  }
0x9: {  	p0 =	sne.s32 s5, $0x0;
	s30 =	sshrl.u32 s7, $0x7;
	s7 =	sshrl.u32 s7, $0x8  }
.Ltmp0:
0xa: {  	s9 =	simm.s32 @!p0 $0x0;
	s10 =	sand.u32 $0x1, s30;
	(pc) =	sbr.rel .LBB1_1-.Ltmp0, $4  }
0xb: {  	s5 =	simm.s32 $0x1;
	s6 =	sadd.s32 s9, s6;
	s7 =	sadd.s32 s7, s10  }
0xc: {  	s13 =	smov.u32 s4;
	[sflag:s5] =	ssyncpa.u1 $0x0;
	s6 =	smul.u32 s6, s7  }
0xd: {  	p0 =	por $0x0, $0x0;
	[sflag:s31] =	ssyncpa.u1 $0x0;
	s10 =	simm.s32 $0x80000  }
0xe: {  	s7 =	sadd.s32 $0xE00, s8;
	s8 =	sadd.s32 $0x40E00, s8;
	s9 =	sadd.s32 $0x1, s6  }
.LBB1_7:
0xf: {  	p1 =	slt.u32 s15, $0x2  }
0x10: {  	s19 =	smov.u32 s17;
	p2 =	sgt.s32 @!p1 s17, $0x1E;
	s18 =	sshra.s32 @!p1 s17, $0x1F  }
0x11: {  	p3 =	sgt.s32 @!p1 s16, $0x3F80;
	s20 =	sshra.s32 @!p1 s16, $0x1F;
	p2 =	por !p2, p1  }
0x12: {  	s17 =	sand.u32 @!p1 s18, s17;
	p3 =	por !p3, p1;
	s18 =	smov.u32 s16  }
0x13: {  	s16 =	sand.u32 @!p1 s20, s16;
	s19 =	simm.s32 @p2 $0x1E;
	s18 =	simm.s32 @p3 $0x3F80  }
0x14: {  	s20 =	smov.u32 s14;
	s17 =	ssub.s32 @!p1 s19, s17;
	s16 =	ssub.s32 @!p1 s18, s16  }
0x15: {  	s18 =	sadd.s32 @!p1 $0xFFFFFFE2, s17;
	s17 =	ssub.s32 @!p1 $0x20, s17;
	s19 =	sadd.s32 @!p1 $0xFFFFC080, s16  }
0x16: {  	p2 =	sgt.s32 @!p1 s18, $0x1;
	s17 =	smul.u32 @!p1 $0x32, s17;
	p3 =	sgt.s32 @!p1 s19, $0x7F  }
0x17: {  	s16 =	ssub.s32 @!p1 $0x4000, s16;
	p2 =	por !p2, p1;
	p3 =	por !p3, p1  }
0x18: {  	s18 =	sadd.s32 $0x100, s13;
	s17 =	simm.s32 @!p2 $0x0;
	s16 =	simm.s32 @!p3 $0x0  }
0x19: {  	p2 =	sgt.s32 s18, $0x3FFF;
	s16 =	smul.u32 @!p1 s16, s17;
	s17 =	sadd.s32 $0x20, s14  }
0x1a: {  	s20 =	smov.u32 @p2 s17  }
0x1b: {  	s18 =	smov.u32 @p2 s4;
	p2 =	sgt.s32 s20, $0x1F  }
0x1c: {  	s20 =	smov.u32 @p2 s3;
	p2 =	sne.s32 s15, s9  }
.Ltmp1:
0x1d: {  	p0 =	por !p0, !p0;
	s19 =	simm.s32 @!p1 $0x2;
	(pc) =	sbr.rel @!p2 .LBB1_8-.Ltmp1, $4  }
0x1e: {  	s17 =	smov.u32 s12;
	s12 =	smov.u32 s14;
	s16 =	sand.u32 @!p1 $0x3FFFFFFE, s16  }
0x1f: {  	_ =	swait.ge @!p1 [sflag:s19], s16;
	s21 =	ssub.s32 @!p1 $0x0, s16;
	s16 =	smov.u32 s11  }
0x20: {  	s15 =	sadd.s32 $0x1, s15;
	s11 =	smov.u32 s13;
	[sflag:s19] =	ssyncset.done @!p1 $0x0  }
0x21: {  	s13 =	smov.u32 s18;
	s14 =	smov.u32 s20;
	[sflag:s19] =	ssyncadd.s32 @!p1 s21  }
.LBB1_1:
0x22: {  	p1 =	sge.u32 s15, s6  }
0x23: {  	s18 =	sxor.u32 @!p1 $0xFFFFFFFF, s15;
	s19 =	sshll.u32 @!p1 s14, $0x12  }
0x24: {  	s20 =	sshll.u32 @!p1 s13, $0x4;
	s22 =	simm.s32 @!p1 $0x40;
	s23 =	simm.s32 @!p1 $0x80  }
0x25: {  	s18 =	sshll.u32 @!p1 s18, $0xE;
	s20 =	sand.u32 @!p1 $0x3FFF0, s20;
	s21 =	sadd.s32 @!p1 s7, s19  }
0x26: {  	s19 =	sadd.s32 @!p1 s19, s8;
	s18 =	sand.u32 @!p1 $0x4000, s18;
	s21 =	sadd.s32 @!p1 s20, s21  }
0x27: {  	[tilespmem:s18], [sflag:$0x1] =	stream.strided.gather @!p1 [hbm4b:s21+s22], $0x2000, s23, s22, $0x38;
	[tilespmem:$0x10100] =	vst v63  }
0x28: {  	s31 =	sadd.s32 $0xFFFFFFFF, s15;
	s19 =	sadd.s32 @!p1 s20, s19;
	s18 =	sor.u32 @!p1 $0x2000, s18  }
0x29: {  	[tilespmem:s18], [sflag:$0x1] =	stream.strided.gather @!p1 [hbm4b:s19+s22], $0x2000, s23, s22, $0x38;
	[tilespmem:$0x10100] =	vst v63  }
0x2a: {  	p1 =	sge.u32 s31, s6  }
.Ltmp2:
0x2b: {  	_ = 	snop;
	(pc) =	sbr.rel @p1 .LBB1_7-.Ltmp2, $1  }
0x2c: {  	_ =	sdelay $0x3  }
0x2d: {  	s18 =	simm.s32 $0x1;
	s20 =	sand.u32 $0x1, s15  }
0x2e: {  	_ =	swait.ge [sflag:s5], $0x4000;
	s18 =	simm.s32 @!p0 $0x0;
	s20 =	smul.u32 $0x10200, s20  }
0x2f: {  	p2 =	por $0x1, $0x1;
	[sflag:s5] =	ssyncset.done $0x0;
	s19 =	smul.u32 $0x10200, s18  }
0x30: {  	s21 =	sshll.u32 s18, $0x10;
	[sflag:s5] =	ssyncadd.s32 $0xFFFFC000;
	s30 =	sshrl.u32 s20, $0x2  }
0x31: {  	s31 =	sshrl.u32 s21, $0x2;
	s21 =	simm.s32 $0x0;
	s19 =	sshrl.u32 s19, $0x2  }
0x32: {  	s18 =	sor.u32 $0x8000, s30;
	s20 =	sadd.s32 $0x20, s31;
	s19 =	sor.u32 $0x8000, s19  }
.LBB1_3:
0x33: {  	s22 =	sshll.u32 s21, $0xD  }
0x34: {  	s22 =	sand.u32 $0x3FFFE000, s22  }
0x35: {  	s24 =	sadd.s32 s22, s20  }
0x36: {  	s31 =	smul.u32 $0x204, s21;
	v3 =	vld [tilespmem:s24+$0x10]  }
0x37: {  	v1 =	vld [tilespmem:s24+$0xFFFFFFF0]  }
0x38: {  	s21 =	sshra.s32 s31, $0x2;
	v0 =	vld [tilespmem:s24+$0x0]  }
0x39: {  	s21 =	sadd.s32 s21, s19;
	v2 =	vld [tilespmem:s24+$0xFFFFFFE0]  }
0x3a: {  	s22 =	sadd.s32 $0x0, s21  }
0x3b: {  	p1 =	por p2, p2;
	s23 =	simm.s32 $0x4;
	s24 =	sadd.s32 $0x40, s24;
	[tilespmem:s22+$0x3060 ss:$0x102] =	vst.msk $0xffff, v3  }
.LBB1_4:
0x3c: {  	v3 =	vld [tilespmem:s24+$0x10];
	p2 =	sne.s32 s23, $0x1FC;
	[tilespmem:s22+$0x1020 ss:$0x102] =	vst.msk $0xffff, v1;
	s25 =	smov.u32 s23;
	s23 =	sadd.s32 $0x4, s23  }
.Ltmp3:
0x3d: {  	v1 =	vld [tilespmem:s24+$0xFFFFFFF0];
	[tilespmem:s22+$0x2040 ss:$0x102] =	vst.msk $0xffff, v0;
	(pc) =	sbr.rel @p2 .LBB1_4-.Ltmp3, $4  }
0x3e: {  	v0 =	vld [tilespmem:s24+$0x0];
	[tilespmem:s22+$0x0 ss:$0x102] =	vst.msk $0xffff, v2  }
0x3f: {  	s22 =	sshra.s32 s25, $0x2;
	v2 =	vld [tilespmem:s24+$0xFFFFFFE0]  }
0x40: {  	s22 =	sadd.s32 s22, s21  }
0x41: {  	s24 =	sadd.s32 $0x40, s24;
	[tilespmem:s22+$0x3060 ss:$0x102] =	vst.msk $0xffff, v3  }
.Ltmp4:
0x42: {  	(pc) =	sbr.rel @p1 .LBB1_3-.Ltmp4, $4  }
0x43: {  	_ = 	snop  }
0x44: {  	[tilespmem:s22+$0x1020 ss:$0x102] =	vst.msk $0xffff, v1  }
0x45: {  	[tilespmem:s22+$0x2040 ss:$0x102] =	vst.msk $0xffff, v0  }
0x46: {  	s21 =	simm.s32 $0x1;
	p2 =	por $0x0, $0x0;
	[tilespmem:s22+$0x0 ss:$0x102] =	vst.msk $0xffff, v2  }
0x47: {  	s19 =	sand.u32 $0x78, s11;
	p1 =	sgt.s32 s12, $0x1E;
	s20 =	smov.u32 s12  }
0x48: {  	s21 =	sshra.s32 s12, $0x1F;
	s22 =	sshll.u32 s12, $0xE;
	s23 =	sshll.u32 s11, $0x3  }
0x49: {  	s30 =	sshra.s32 s11, $0x1F;
	s25 =	sshll.u32 s12, $0x7;
	s20 =	simm.s32 @!p1 $0x1E  }
0x4a: {  	s21 =	sand.u32 s21, s12;
	s22 =	sand.u32 $0x60000, s22;
	p1 =	sgt.s32 s11, $0x3F80  }
0x4b: {  	s25 =	sand.u32 $0x380, s25;
	s20 =	ssub.s32 s20, s21;
	s21 =	smov.u32 s11  }
0x4c: {  	s22 =	sadd.s32 s22, s23;
	s24 =	sadd.s32 $0xFFFFFFE2, s20;
	s21 =	simm.s32 @!p1 $0x3F80  }
0x4d: {  	s20 =	ssub.s32 $0x20, s20;
	p1 =	sgt.s32 s24, $0x1;
	s24 =	sand.u32 s30, s11  }
0x4e: {  	s23 =	sand.u32 $0x3C00, s23;
	s20 =	smul.u32 $0x32, s20;
	s21 =	ssub.s32 s21, s24  }
0x4f: {  	s19 =	sor.u32 s25, s19;
	s22 =	sand.u32 $0x7C000, s22;
	s24 =	sadd.s32 $0xFFFFC080, s21  }
0x50: {  	s20 =	simm.s32 @p1 $0x0;
	s21 =	ssub.s32 $0x4000, s21;
	p1 =	sgt.s32 s24, $0x7F  }
.Ltmp5:
0x51: {  	s19 =	sor.u32 s23, s19;
	s21 =	simm.s32 @p1 $0x0;
	(pc) =	sbr.rel .LBB1_7-.Ltmp5, $4  }
0x52: {  	s31 =	sand.u32 $0x7, s11;
	s19 =	sor.u32 s22, s19;
	s20 =	smul.u32 s21, s20  }
0x53: {  	s19 =	sshrl.u32 s19, $0x3;
	s21 =	sshll.u32 s31, $0x12  }
0x54: {  	s19 =	sadd.s32 s2, s19;
	s21 =	sor.u32 $0x100, s21;
	s20 =	sand.u32 $0x3FFFFFFE, s20  }
0x55: {  	[hbm4b:s19+s21] =	stream.strided.scatter [tilespmem:s18], [sflag:$0x2], s20, s10, s21, $0x20;
	[tilespmem:$0x10100] =	vst v63  }
.LBB1_8:
0x56: {  	_ =	sfence.sel $0x180000  }
0x57: {  	s2 =	simm.s32 $0x1;
	[bflag:$0x0] =	sbarrier.arrive $0xFFFF  }
0x58: {  	s31 =	simm.s32 $0x2;
	[sflag:s2] =	ssyncpa.u1 $0x1  }
0x59: {  	[sflag:s31] =	ssyncpa.u1 $0x1  }
0x5a: {  	p0 =	sne.s32 s1, $0x0;
	_ =	strace $0x9000004D  }
0x5b: {  	s0 =	sadd.s32 @!p0 $0x100000, s0;
	[bflag:$0x2] =	sbarrier.arrive $0xFFFF  }
0x5c: {  	[sflag:s0] =	ssyncadd.tile.s32 @!p0 $0x1;
	_ =	shalt  }
.Lfunc_end1:
_tile_overlayer_lowered:
.L_overlay_start_2:
0x5d: {  	(tag) =	ssettag $0x2  }
0x5e: {  	s0 =	rddreg [dreg:$0x0];
	s2 =	stileid.u32  }
0x5f: {  	s1 =	rddreg [dreg:$0x1];
	p0 =	sne.s32 s2, $0x0  }
0x60: {  	s3 =	rddreg [dreg:$0x2];
	[bflag:$0x3] =	sbarrier.arrive $0xFFFF;
	s2 =	simm.s32 @!p0 $0x1C01  }
0x61: {  	[timem:s3], [sflag:s2] =	dma.local @!p0 [hbm:s0], s1  }
0x62: {  	s0 =	simm.s32 @!p0 $0x1  }
0x63: {  	_ =	swait.ge @!p0 [sflag:s0], s1  }
0x64: {  	s1 =	ssub.s32 @!p0 $0x0, s1;
	[sflag:s0] =	ssyncset.done @!p0 $0x0  }
0x65: {  	[sflag:s0] =	ssyncadd.s32 @!p0 s1  }
0x66: {  	[bflag:$0x3] =	sbarrier.arrive $0xFFFF  }
0x67: {  	_ =	shalt  }

</sc_bundles>
